<compile_context>
chip_gen: v7x
topology: tpu7x:2x2x1
jax: 0.10.2.dev20260603
libtpu: 0.0.44.dev20260713+nightly
codegen_flags: <defaults>
</compile_context>

<pallas_src>
import functools

import jax
import jax.numpy as jnp
from jax import lax
from jax.experimental import pallas as pl
from jax.experimental.pallas import tpu as pltpu
from jax.experimental.pallas import tpu_sc as plsc

N = 10000
E = 320000
D = 128
NC, NS, L = 2, 16, 16
W = NC * NS
EPW = E // W
B = 80
CHUNKS = EPW // B
GPB = B // L
ACC_W = 144
RPS = N // NS
ZR = 125
NB_D = D // L


def _qkv_body(x_ref, wq_ref, wk_ref, wv_ref, q_ref, k_ref, v_ref):
    x = x_ref[...]
    inv_scale = 1.0 / (float(D) ** 0.5)
    q_ref[...] = jnp.dot(x, wq_ref[...], preferred_element_type=jnp.float32) * inv_scale
    k_ref[...] = jnp.dot(x, wk_ref[...], preferred_element_type=jnp.float32)
    v_ref[...] = jnp.dot(x, wv_ref[...], preferred_element_type=jnp.float32)


def _qkv(x, wq, wk, wv):
    blk = 1000
    grid = N // blk
    w_spec = pl.BlockSpec((D, D), lambda i: (0, 0))
    x_spec = pl.BlockSpec((blk, D), lambda i: (i, 0))
    out = jax.ShapeDtypeStruct((N, D), jnp.float32)
    return pl.pallas_call(
        _qkv_body,
        grid=(grid,),
        in_specs=[x_spec, w_spec, w_spec, w_spec],
        out_specs=[x_spec, x_spec, x_spec],
        out_shape=[out, out, out],
    )(x, wq, wk, wv)


def _sc_body(q_hbm, k_hbm, v_hbm, ei_hbm, hp_hbm,
             dst_v, src_v, qrows, kvrows, outb, accs, wsc, sem, h_sh):
    cid = lax.axis_index("c")
    sid = lax.axis_index("s")
    wid = sid * NC + cid
    lane = lax.iota(jnp.int32, L)
    zero16 = jnp.zeros((L,), jnp.float32)

    def zrow(r, _):
        for j in range(ACC_W // L):
            outb[r, pl.ds(j * L, L)] = zero16
        return 0
    lax.fori_loop(0, B, zrow, 0)
    for t in range(RPS // B):
        pltpu.sync_copy(outb, h_sh.at[pl.ds(sid * RPS + t * B, B)])
    rem = RPS - (RPS // B) * B
    if rem:
        pltpu.sync_copy(outb.at[pl.ds(0, rem)],
                        h_sh.at[pl.ds(sid * RPS + (RPS // B) * B, rem)])
    plsc.subcore_barrier()

    def chunk(ci, _):
        base = wid * EPW + ci * B
        pltpu.sync_copy(ei_hbm.at[1, pl.ds(base, B)], dst_v)
        pltpu.sync_copy(ei_hbm.at[0, pl.ds(base, B)], src_v)
        cq = pltpu.async_copy(q_hbm.at[dst_v], qrows, sem)
        ck = pltpu.async_copy(k_hbm.at[src_v], kvrows, sem)
        cq.wait()
        ck.wait()

        def group(g, _):
            def edot(e16, _):
                e = g * L + e16
                acc = qrows[e, pl.ds(0, L)] * kvrows[e, pl.ds(0, L)]
                for j in range(1, NB_D):
                    acc = acc + qrows[e, pl.ds(j * L, L)] * kvrows[e, pl.ds(j * L, L)]
                accs[pl.ds((g * L + e16) * L, L)] = acc
                return 0
            lax.fori_loop(0, L, edot, 0)
            return 0
        lax.fori_loop(0, GPB, group, 0)

        cv = pltpu.async_copy(v_hbm.at[src_v], kvrows, sem)

        for g in range(GPB):
            s = plsc.load_gather(accs, [g * L * L + lane * L])
            for j in range(1, L):
                s = s + plsc.load_gather(accs, [g * L * L + lane * L + j])
            w = jnp.exp(jnp.minimum(s, 70.0))
            wsc[pl.ds(g * L, L)] = w
        cv.wait()

        def vw(e, _):
            wv = plsc.load_gather(wsc, [jnp.full((L,), e, jnp.int32)])
            for j in range(NB_D):
                outb[e, pl.ds(j * L, L)] = kvrows[e, pl.ds(j * L, L)] * wv
            outb[e, pl.ds(D, L)] = jnp.where(lane == 0, wv, 0.0)
            return 0
        lax.fori_loop(0, B, vw, 0)

        pltpu.sync_copy(outb, h_sh.at[dst_v], add=True)
        return 0
    lax.fori_loop(0, CHUNKS, chunk, 0)

    plsc.subcore_barrier()
    pltpu.sync_copy(h_sh.at[pl.ds(sid * RPS, RPS)],
                    hp_hbm.at[cid, pl.ds(sid * RPS, RPS)])


_sc_attention = functools.partial(
    pl.kernel,
    out_type=jax.ShapeDtypeStruct((NC, N, ACC_W), jnp.float32),
    mesh=plsc.VectorSubcoreMesh(core_axis_name="c", subcore_axis_name="s"),
    compiler_params=pltpu.CompilerParams(
        use_tc_tiling_on_sc=False, needs_layout_passes=False),
    scratch_types=[
        pltpu.VMEM((B,), jnp.int32),
        pltpu.VMEM((B,), jnp.int32),
        pltpu.VMEM((B, D), jnp.float32),
        pltpu.VMEM((B, D), jnp.float32),
        pltpu.VMEM((B, ACC_W), jnp.float32),
        pltpu.VMEM((B * L,), jnp.float32),
        pltpu.VMEM((B,), jnp.float32),
        pltpu.SemaphoreType.DMA,
        pltpu.VMEM_SHARED((N, ACC_W), jnp.float32),
    ],
)(_sc_body)


def _combine_body(hp_ref, h_ref):
    s = hp_ref[0] + hp_ref[1]
    denom = jnp.maximum(s[:, D:D + 1], 1e-16)
    h_ref[...] = s[:, :D] / denom


def _combine(hp):
    blk = 1000
    return pl.pallas_call(
        _combine_body,
        grid=(N // blk,),
        in_specs=[pl.BlockSpec((NC, blk, ACC_W), lambda i: (0, i, 0))],
        out_specs=pl.BlockSpec((blk, D), lambda i: (i, 0)),
        out_shape=jax.ShapeDtypeStruct((N, D), jnp.float32),
    )(hp)


def kernel(node_feats, edge_index, Wq, Wk, Wv):
    q, k, v = _qkv(node_feats, Wq, Wk, Wv)
    hp = _sc_attention(q, k, v, edge_index)
    return _combine(hp)

# --- scband reference (transcript-rebuilt; emitter-appended) ---
"""Pipeline reference for scband-single-head-node-attention-35605278884024 (READ-ONLY COPY).

The authoritative reference and input builder live on the scoring server;
editing this copy changes nothing except your own understanding.
"""

import jax, jax.numpy as jnp
import numpy as np

N = 10000
E = 320000
D = 128

def setup_inputs(seed: int = 0) -> dict:
    key = jax.random.key(seed)
    k1, k2, k3, k4, k5 = jax.random.split(key, 5)
    node_feats = jax.random.normal(k1, (N, D), dtype=jnp.float32)
    edge_index = jax.random.randint(k2, (2, E), 0, N, dtype=jnp.int32)
    # nn.Linear(in_feats, out_feats, bias=False): y = x @ W.T with W [out, in].
    # We store W already transposed: [in, out].
    Wq = jax.random.normal(k3, (D, D), dtype=jnp.float32) * (1.0 / np.sqrt(D))
    Wk = jax.random.normal(k4, (D, D), dtype=jnp.float32) * (1.0 / np.sqrt(D))
    Wv = jax.random.normal(k5, (D, D), dtype=jnp.float32) * (1.0 / np.sqrt(D))
    return {"node_feats": node_feats, "edge_index": edge_index, "Wq": Wq, "Wk": Wk, "Wv": Wv}

def reference(node_feats, edge_index, Wq, Wk, Wv):
    scaling = float(D) ** 0.5
    Q = node_feats @ Wq
    K = node_feats @ Wk
    V = node_feats @ Wv
    src = edge_index[0]
    dst = edge_index[1]
    # attention score per edge: dst queries attend to src keys
    attn_score = jnp.sum(Q[dst] * K[src], axis=-1) / scaling
    # edge_softmax: softmax over incoming edges of each destination node
    seg_max = jax.ops.segment_max(attn_score, dst, num_segments=N)
    seg_max = jnp.where(jnp.isfinite(seg_max), seg_max, 0.0)
    attn_exp = jnp.exp(attn_score - seg_max[dst])
    denom = jax.ops.segment_sum(attn_exp, dst, num_segments=N)
    alpha = attn_exp / jnp.maximum(denom[dst], 1e-16)
    weighted_msg = alpha[:, None] * V[src]
    h = jax.ops.segment_sum(weighted_msg, dst, num_segments=N)
    return h

if __name__ == "__main__":
    import jax
    _d = setup_inputs()
    print(jax.jit(kernel)(*tuple(_d.values())))

</pallas_src>

<mosaic_0001>
#map = affine_map<(d0, d1) -> (0, 0)>
#map1 = affine_map<(d0, d1) -> (0, 0, 0)>
module attributes {stable_mosaic.version = 14 : i64} {
  func.func @_sc_body(%arg0: i32, %arg1: i32, %arg2: memref<10000x128xf32, #tpu.memory_space<hbm>>, %arg3: memref<10000x128xf32, #tpu.memory_space<hbm>>, %arg4: memref<10000x128xf32, #tpu.memory_space<hbm>>, %arg5: memref<2x320000xi32, #tpu.memory_space<hbm>>, %arg6: memref<2x10000x144xf32, #tpu.memory_space<hbm>>, %arg7: memref<80xi32, #tpu.memory_space<vmem>>, %arg8: memref<80xi32, #tpu.memory_space<vmem>>, %arg9: memref<80x128xf32, #tpu.memory_space<vmem>>, %arg10: memref<80x128xf32, #tpu.memory_space<vmem>>, %arg11: memref<80x144xf32, #tpu.memory_space<vmem>>, %arg12: memref<1280xf32, #tpu.memory_space<vmem>>, %arg13: memref<80xf32, #tpu.memory_space<vmem>>, %arg14: memref<!tpu.dma_semaphore, #tpu.memory_space<semaphore_mem>>, %arg15: memref<10000x144xf32, #tpu.memory_space<vmem_shared>>) attributes {dimension_semantics = [#tpu.dimension_semantics<core_parallel>, #tpu.dimension_semantics<subcore_parallel>], iteration_bounds = array<i64: 2, 16>, scalar_prefetch = 0 : i64, scratch_operands = 9 : i64, tpu.core_type = #tpu.core_type<sc_vector_subcore>, window_params = [{transform_indices = #map}, {transform_indices = #map}, {transform_indices = #map}, {transform_indices = #map}, {transform_indices = #map1}]} {
    %mul3A = arith.constant 2 : i32
    %mul3A_0 = arith.muli %arg1, %mul3A : i32
    %add3A = arith.addi %mul3A_0, %arg0 : i32
    %iota3A = tpu.iota {dimensions = array<i32: 0>} : vector<16xi32>
    %broadcast_in_dim3A = arith.constant 0.000000e+00 : f32
    %broadcast_in_dim3A_1 = vector.broadcast %broadcast_in_dim3A : f32 to vector<16xf32>
    %scan3A = arith.constant 0 : i32
    %scan3A_2 = arith.constant 0 : i32
    %scan3A_3 = arith.constant 80 : i32
    %scan3A_4 = arith.addi %scan3A_2, %scan3A_3 : i32
    %scan3A_5 = arith.constant 1 : i32
    %scan3A_6 = scf.for %scan3A_52 = %scan3A_2 to %scan3A_4 step %scan3A_5 iter_args(%scan3A_53 = %scan3A) -> (i32)  : i32 {
      %swap3A = arith.index_cast %scan3A_52 : i32 to index
      %swap3A_54 = arith.constant 0 : index
      %swap3A_55 = tpu.vector_load %arg11[%swap3A, %swap3A_54] {strides = array<i32>} : memref<80x144xf32, #tpu.memory_space<vmem>>, vector<16xf32>,
      tpu.vector_store %arg11[%swap3A, %swap3A_54], %broadcast_in_dim3A_1 {strides = array<i32>} : memref<80x144xf32, #tpu.memory_space<vmem>>, vector<16xf32>,
      %swap3A_56 = arith.index_cast %scan3A_52 : i32 to index
      %swap3A_57 = arith.constant 16 : index
      %swap3A_58 = tpu.vector_load %arg11[%swap3A_56, %swap3A_57] {strides = array<i32>} : memref<80x144xf32, #tpu.memory_space<vmem>>, vector<16xf32>,
      tpu.vector_store %arg11[%swap3A_56, %swap3A_57], %broadcast_in_dim3A_1 {strides = array<i32>} : memref<80x144xf32, #tpu.memory_space<vmem>>, vector<16xf32>,
      %swap3A_59 = arith.index_cast %scan3A_52 : i32 to index
      %swap3A_60 = arith.constant 32 : index
      %swap3A_61 = tpu.vector_load %arg11[%swap3A_59, %swap3A_60] {strides = array<i32>} : memref<80x144xf32, #tpu.memory_space<vmem>>, vector<16xf32>,
      tpu.vector_store %arg11[%swap3A_59, %swap3A_60], %broadcast_in_dim3A_1 {strides = array<i32>} : memref<80x144xf32, #tpu.memory_space<vmem>>, vector<16xf32>,
      %swap3A_62 = arith.index_cast %scan3A_52 : i32 to index
      %swap3A_63 = arith.constant 48 : index
      %swap3A_64 = tpu.vector_load %arg11[%swap3A_62, %swap3A_63] {strides = array<i32>} : memref<80x144xf32, #tpu.memory_space<vmem>>, vector<16xf32>,
      tpu.vector_store %arg11[%swap3A_62, %swap3A_63], %broadcast_in_dim3A_1 {strides = array<i32>} : memref<80x144xf32, #tpu.memory_space<vmem>>, vector<16xf32>,
      %swap3A_65 = arith.index_cast %scan3A_52 : i32 to index
      %swap3A_66 = arith.constant 64 : index
      %swap3A_67 = tpu.vector_load %arg11[%swap3A_65, %swap3A_66] {strides = array<i32>} : memref<80x144xf32, #tpu.memory_space<vmem>>, vector<16xf32>,
      tpu.vector_store %arg11[%swap3A_65, %swap3A_66], %broadcast_in_dim3A_1 {strides = array<i32>} : memref<80x144xf32, #tpu.memory_space<vmem>>, vector<16xf32>,
      %swap3A_68 = arith.index_cast %scan3A_52 : i32 to index
      %swap3A_69 = arith.constant 80 : index
      %swap3A_70 = tpu.vector_load %arg11[%swap3A_68, %swap3A_69] {strides = array<i32>} : memref<80x144xf32, #tpu.memory_space<vmem>>, vector<16xf32>,
      tpu.vector_store %arg11[%swap3A_68, %swap3A_69], %broadcast_in_dim3A_1 {strides = array<i32>} : memref<80x144xf32, #tpu.memory_space<vmem>>, vector<16xf32>,
      %swap3A_71 = arith.index_cast %scan3A_52 : i32 to index
      %swap3A_72 = arith.constant 96 : index
      %swap3A_73 = tpu.vector_load %arg11[%swap3A_71, %swap3A_72] {strides = array<i32>} : memref<80x144xf32, #tpu.memory_space<vmem>>, vector<16xf32>,
      tpu.vector_store %arg11[%swap3A_71, %swap3A_72], %broadcast_in_dim3A_1 {strides = array<i32>} : memref<80x144xf32, #tpu.memory_space<vmem>>, vector<16xf32>,
      %swap3A_74 = arith.index_cast %scan3A_52 : i32 to index
      %swap3A_75 = arith.constant 112 : index
      %swap3A_76 = tpu.vector_load %arg11[%swap3A_74, %swap3A_75] {strides = array<i32>} : memref<80x144xf32, #tpu.memory_space<vmem>>, vector<16xf32>,
      tpu.vector_store %arg11[%swap3A_74, %swap3A_75], %broadcast_in_dim3A_1 {strides = array<i32>} : memref<80x144xf32, #tpu.memory_space<vmem>>, vector<16xf32>,
      %swap3A_77 = arith.index_cast %scan3A_52 : i32 to index
      %swap3A_78 = arith.constant 128 : index
      %swap3A_79 = tpu.vector_load %arg11[%swap3A_77, %swap3A_78] {strides = array<i32>} : memref<80x144xf32, #tpu.memory_space<vmem>>, vector<16xf32>,
      tpu.vector_store %arg11[%swap3A_77, %swap3A_78], %broadcast_in_dim3A_1 {strides = array<i32>} : memref<80x144xf32, #tpu.memory_space<vmem>>, vector<16xf32>,
      %scan3A_80 = arith.constant 0 : i32
      scf.yield %scan3A_80 : i32
    }
    %scan3A_7 = arith.constant 80 : i32
    %mul3A_8 = arith.constant 625 : i32
    %mul3A_9 = arith.muli %arg1, %mul3A_8 : i32
    %add3A_10 = arith.constant 0 : i32
    %add3A_11 = arith.addi %mul3A_9, %add3A_10 : i32
    "tpu.region"() ({
      %run_scoped3A = tpu.sem_alloc : memref<!tpu.dma_semaphore, #tpu.memory_space<semaphore_mem>>
      %dma_start3A = arith.constant 0 : i32
      %dma_start3A_52 = tpu.memref_slice %arg15[%add3A_11, %dma_start3A] : memref<10000x144xf32, #tpu.memory_space<vmem_shared>> -> memref<80x144xf32, #tpu.memory_space<vmem_shared>>
      %dma_start3A_53 = arith.constant 0 : i32
      %dma_start3A_54 = tpu.memref_slice %arg15[%add3A_11, %dma_start3A_53] : memref<10000x144xf32, #tpu.memory_space<vmem_shared>> -> memref<80x144xf32, #tpu.memory_space<vmem_shared>>
      tpu.enqueue_dma source(%arg11 : memref<80x144xf32, #tpu.memory_space<vmem>>) target(%dma_start3A_54 : memref<80x144xf32, #tpu.memory_space<vmem_shared>>) target_semaphore(%run_scoped3A : memref<!tpu.dma_semaphore, #tpu.memory_space<semaphore_mem>>)
      %dma_wait3A = arith.constant 0 : i32
      %dma_wait3A_55 = tpu.memref_slice %arg15[%add3A_11, %dma_wait3A] : memref<10000x144xf32, #tpu.memory_space<vmem_shared>> -> memref<80x144xf32, #tpu.memory_space<vmem_shared>>
      %dma_wait3A_56 = arith.constant 0 : i32
      %dma_wait3A_57 = tpu.memref_slice %arg15[%add3A_11, %dma_wait3A_56] : memref<10000x144xf32, #tpu.memory_space<vmem_shared>> -> memref<80x144xf32, #tpu.memory_space<vmem_shared>>
      tpu.wait_dma2 semaphore(%run_scoped3A : memref<!tpu.dma_semaphore, #tpu.memory_space<semaphore_mem>>) src(%arg11 : memref<80x144xf32, #tpu.memory_space<vmem>>) dst(%dma_wait3A_57 : memref<80x144xf32, #tpu.memory_space<vmem_shared>>)
      tpu.yield
    }) : () -> ()
    %mul3A_12 = arith.constant 625 : i32
    %mul3A_13 = arith.muli %arg1, %mul3A_12 : i32
    %add3A_14 = arith.constant 80 : i32
    %add3A_15 = arith.addi %mul3A_13, %add3A_14 : i32
    "tpu.region"() ({
      %run_scoped3A = tpu.sem_alloc : memref<!tpu.dma_semaphore, #tpu.memory_space<semaphore_mem>>
      %dma_start3A = arith.constant 0 : i32
      %dma_start3A_52 = tpu.memref_slice %arg15[%add3A_15, %dma_start3A] : memref<10000x144xf32, #tpu.memory_space<vmem_shared>> -> memref<80x144xf32, #tpu.memory_space<vmem_shared>>
      %dma_start3A_53 = arith.constant 0 : i32
      %dma_start3A_54 = tpu.memref_slice %arg15[%add3A_15, %dma_start3A_53] : memref<10000x144xf32, #tpu.memory_space<vmem_shared>> -> memref<80x144xf32, #tpu.memory_space<vmem_shared>>
      tpu.enqueue_dma source(%arg11 : memref<80x144xf32, #tpu.memory_space<vmem>>) target(%dma_start3A_54 : memref<80x144xf32, #tpu.memory_space<vmem_shared>>) target_semaphore(%run_scoped3A : memref<!tpu.dma_semaphore, #tpu.memory_space<semaphore_mem>>)
      %dma_wait3A = arith.constant 0 : i32
      %dma_wait3A_55 = tpu.memref_slice %arg15[%add3A_15, %dma_wait3A] : memref<10000x144xf32, #tpu.memory_space<vmem_shared>> -> memref<80x144xf32, #tpu.memory_space<vmem_shared>>
      %dma_wait3A_56 = arith.constant 0 : i32
      %dma_wait3A_57 = tpu.memref_slice %arg15[%add3A_15, %dma_wait3A_56] : memref<10000x144xf32, #tpu.memory_space<vmem_shared>> -> memref<80x144xf32, #tpu.memory_space<vmem_shared>>
      tpu.wait_dma2 semaphore(%run_scoped3A : memref<!tpu.dma_semaphore, #tpu.memory_space<semaphore_mem>>) src(%arg11 : memref<80x144xf32, #tpu.memory_space<vmem>>) dst(%dma_wait3A_57 : memref<80x144xf32, #tpu.memory_space<vmem_shared>>)
      tpu.yield
    }) : () -> ()
    %mul3A_16 = arith.constant 625 : i32
    %mul3A_17 = arith.muli %arg1, %mul3A_16 : i32
    %add3A_18 = arith.constant 160 : i32
    %add3A_19 = arith.addi %mul3A_17, %add3A_18 : i32
    "tpu.region"() ({
      %run_scoped3A = tpu.sem_alloc : memref<!tpu.dma_semaphore, #tpu.memory_space<semaphore_mem>>
      %dma_start3A = arith.constant 0 : i32
      %dma_start3A_52 = tpu.memref_slice %arg15[%add3A_19, %dma_start3A] : memref<10000x144xf32, #tpu.memory_space<vmem_shared>> -> memref<80x144xf32, #tpu.memory_space<vmem_shared>>
      %dma_start3A_53 = arith.constant 0 : i32
      %dma_start3A_54 = tpu.memref_slice %arg15[%add3A_19, %dma_start3A_53] : memref<10000x144xf32, #tpu.memory_space<vmem_shared>> -> memref<80x144xf32, #tpu.memory_space<vmem_shared>>
      tpu.enqueue_dma source(%arg11 : memref<80x144xf32, #tpu.memory_space<vmem>>) target(%dma_start3A_54 : memref<80x144xf32, #tpu.memory_space<vmem_shared>>) target_semaphore(%run_scoped3A : memref<!tpu.dma_semaphore, #tpu.memory_space<semaphore_mem>>)
      %dma_wait3A = arith.constant 0 : i32
      %dma_wait3A_55 = tpu.memref_slice %arg15[%add3A_19, %dma_wait3A] : memref<10000x144xf32, #tpu.memory_space<vmem_shared>> -> memref<80x144xf32, #tpu.memory_space<vmem_shared>>
      %dma_wait3A_56 = arith.constant 0 : i32
      %dma_wait3A_57 = tpu.memref_slice %arg15[%add3A_19, %dma_wait3A_56] : memref<10000x144xf32, #tpu.memory_space<vmem_shared>> -> memref<80x144xf32, #tpu.memory_space<vmem_shared>>
      tpu.wait_dma2 semaphore(%run_scoped3A : memref<!tpu.dma_semaphore, #tpu.memory_space<semaphore_mem>>) src(%arg11 : memref<80x144xf32, #tpu.memory_space<vmem>>) dst(%dma_wait3A_57 : memref<80x144xf32, #tpu.memory_space<vmem_shared>>)
      tpu.yield
    }) : () -> ()
    %mul3A_20 = arith.constant 625 : i32
    %mul3A_21 = arith.muli %arg1, %mul3A_20 : i32
    %add3A_22 = arith.constant 240 : i32
    %add3A_23 = arith.addi %mul3A_21, %add3A_22 : i32
    "tpu.region"() ({
      %run_scoped3A = tpu.sem_alloc : memref<!tpu.dma_semaphore, #tpu.memory_space<semaphore_mem>>
      %dma_start3A = arith.constant 0 : i32
      %dma_start3A_52 = tpu.memref_slice %arg15[%add3A_23, %dma_start3A] : memref<10000x144xf32, #tpu.memory_space<vmem_shared>> -> memref<80x144xf32, #tpu.memory_space<vmem_shared>>
      %dma_start3A_53 = arith.constant 0 : i32
      %dma_start3A_54 = tpu.memref_slice %arg15[%add3A_23, %dma_start3A_53] : memref<10000x144xf32, #tpu.memory_space<vmem_shared>> -> memref<80x144xf32, #tpu.memory_space<vmem_shared>>
      tpu.enqueue_dma source(%arg11 : memref<80x144xf32, #tpu.memory_space<vmem>>) target(%dma_start3A_54 : memref<80x144xf32, #tpu.memory_space<vmem_shared>>) target_semaphore(%run_scoped3A : memref<!tpu.dma_semaphore, #tpu.memory_space<semaphore_mem>>)
      %dma_wait3A = arith.constant 0 : i32
      %dma_wait3A_55 = tpu.memref_slice %arg15[%add3A_23, %dma_wait3A] : memref<10000x144xf32, #tpu.memory_space<vmem_shared>> -> memref<80x144xf32, #tpu.memory_space<vmem_shared>>
      %dma_wait3A_56 = arith.constant 0 : i32
      %dma_wait3A_57 = tpu.memref_slice %arg15[%add3A_23, %dma_wait3A_56] : memref<10000x144xf32, #tpu.memory_space<vmem_shared>> -> memref<80x144xf32, #tpu.memory_space<vmem_shared>>
      tpu.wait_dma2 semaphore(%run_scoped3A : memref<!tpu.dma_semaphore, #tpu.memory_space<semaphore_mem>>) src(%arg11 : memref<80x144xf32, #tpu.memory_space<vmem>>) dst(%dma_wait3A_57 : memref<80x144xf32, #tpu.memory_space<vmem_shared>>)
      tpu.yield
    }) : () -> ()
    %mul3A_24 = arith.constant 625 : i32
    %mul3A_25 = arith.muli %arg1, %mul3A_24 : i32
    %add3A_26 = arith.constant 320 : i32
    %add3A_27 = arith.addi %mul3A_25, %add3A_26 : i32
    "tpu.region"() ({
      %run_scoped3A = tpu.sem_alloc : memref<!tpu.dma_semaphore, #tpu.memory_space<semaphore_mem>>
      %dma_start3A = arith.constant 0 : i32
      %dma_start3A_52 = tpu.memref_slice %arg15[%add3A_27, %dma_start3A] : memref<10000x144xf32, #tpu.memory_space<vmem_shared>> -> memref<80x144xf32, #tpu.memory_space<vmem_shared>>
      %dma_start3A_53 = arith.constant 0 : i32
      %dma_start3A_54 = tpu.memref_slice %arg15[%add3A_27, %dma_start3A_53] : memref<10000x144xf32, #tpu.memory_space<vmem_shared>> -> memref<80x144xf32, #tpu.memory_space<vmem_shared>>
      tpu.enqueue_dma source(%arg11 : memref<80x144xf32, #tpu.memory_space<vmem>>) target(%dma_start3A_54 : memref<80x144xf32, #tpu.memory_space<vmem_shared>>) target_semaphore(%run_scoped3A : memref<!tpu.dma_semaphore, #tpu.memory_space<semaphore_mem>>)
      %dma_wait3A = arith.constant 0 : i32
      %dma_wait3A_55 = tpu.memref_slice %arg15[%add3A_27, %dma_wait3A] : memref<10000x144xf32, #tpu.memory_space<vmem_shared>> -> memref<80x144xf32, #tpu.memory_space<vmem_shared>>
      %dma_wait3A_56 = arith.constant 0 : i32
      %dma_wait3A_57 = tpu.memref_slice %arg15[%add3A_27, %dma_wait3A_56] : memref<10000x144xf32, #tpu.memory_space<vmem_shared>> -> memref<80x144xf32, #tpu.memory_space<vmem_shared>>
      tpu.wait_dma2 semaphore(%run_scoped3A : memref<!tpu.dma_semaphore, #tpu.memory_space<semaphore_mem>>) src(%arg11 : memref<80x144xf32, #tpu.memory_space<vmem>>) dst(%dma_wait3A_57 : memref<80x144xf32, #tpu.memory_space<vmem_shared>>)
      tpu.yield
    }) : () -> ()
    %mul3A_28 = arith.constant 625 : i32
    %mul3A_29 = arith.muli %arg1, %mul3A_28 : i32
    %add3A_30 = arith.constant 400 : i32
    %add3A_31 = arith.addi %mul3A_29, %add3A_30 : i32
    "tpu.region"() ({
      %run_scoped3A = tpu.sem_alloc : memref<!tpu.dma_semaphore, #tpu.memory_space<semaphore_mem>>
      %dma_start3A = arith.constant 0 : i32
      %dma_start3A_52 = tpu.memref_slice %arg15[%add3A_31, %dma_start3A] : memref<10000x144xf32, #tpu.memory_space<vmem_shared>> -> memref<80x144xf32, #tpu.memory_space<vmem_shared>>
      %dma_start3A_53 = arith.constant 0 : i32
      %dma_start3A_54 = tpu.memref_slice %arg15[%add3A_31, %dma_start3A_53] : memref<10000x144xf32, #tpu.memory_space<vmem_shared>> -> memref<80x144xf32, #tpu.memory_space<vmem_shared>>
      tpu.enqueue_dma source(%arg11 : memref<80x144xf32, #tpu.memory_space<vmem>>) target(%dma_start3A_54 : memref<80x144xf32, #tpu.memory_space<vmem_shared>>) target_semaphore(%run_scoped3A : memref<!tpu.dma_semaphore, #tpu.memory_space<semaphore_mem>>)
      %dma_wait3A = arith.constant 0 : i32
      %dma_wait3A_55 = tpu.memref_slice %arg15[%add3A_31, %dma_wait3A] : memref<10000x144xf32, #tpu.memory_space<vmem_shared>> -> memref<80x144xf32, #tpu.memory_space<vmem_shared>>
      %dma_wait3A_56 = arith.constant 0 : i32
      %dma_wait3A_57 = tpu.memref_slice %arg15[%add3A_31, %dma_wait3A_56] : memref<10000x144xf32, #tpu.memory_space<vmem_shared>> -> memref<80x144xf32, #tpu.memory_space<vmem_shared>>
      tpu.wait_dma2 semaphore(%run_scoped3A : memref<!tpu.dma_semaphore, #tpu.memory_space<semaphore_mem>>) src(%arg11 : memref<80x144xf32, #tpu.memory_space<vmem>>) dst(%dma_wait3A_57 : memref<80x144xf32, #tpu.memory_space<vmem_shared>>)
      tpu.yield
    }) : () -> ()
    %mul3A_32 = arith.constant 625 : i32
    %mul3A_33 = arith.muli %arg1, %mul3A_32 : i32
    %add3A_34 = arith.constant 480 : i32
    %add3A_35 = arith.addi %mul3A_33, %add3A_34 : i32
    "tpu.region"() ({
      %run_scoped3A = tpu.sem_alloc : memref<!tpu.dma_semaphore, #tpu.memory_space<semaphore_mem>>
      %dma_start3A = arith.constant 0 : i32
      %dma_start3A_52 = tpu.memref_slice %arg15[%add3A_35, %dma_start3A] : memref<10000x144xf32, #tpu.memory_space<vmem_shared>> -> memref<80x144xf32, #tpu.memory_space<vmem_shared>>
      %dma_start3A_53 = arith.constant 0 : i32
      %dma_start3A_54 = tpu.memref_slice %arg15[%add3A_35, %dma_start3A_53] : memref<10000x144xf32, #tpu.memory_space<vmem_shared>> -> memref<80x144xf32, #tpu.memory_space<vmem_shared>>
      tpu.enqueue_dma source(%arg11 : memref<80x144xf32, #tpu.memory_space<vmem>>) target(%dma_start3A_54 : memref<80x144xf32, #tpu.memory_space<vmem_shared>>) target_semaphore(%run_scoped3A : memref<!tpu.dma_semaphore, #tpu.memory_space<semaphore_mem>>)
      %dma_wait3A = arith.constant 0 : i32
      %dma_wait3A_55 = tpu.memref_slice %arg15[%add3A_35, %dma_wait3A] : memref<10000x144xf32, #tpu.memory_space<vmem_shared>> -> memref<80x144xf32, #tpu.memory_space<vmem_shared>>
      %dma_wait3A_56 = arith.constant 0 : i32
      %dma_wait3A_57 = tpu.memref_slice %arg15[%add3A_35, %dma_wait3A_56] : memref<10000x144xf32, #tpu.memory_space<vmem_shared>> -> memref<80x144xf32, #tpu.memory_space<vmem_shared>>
      tpu.wait_dma2 semaphore(%run_scoped3A : memref<!tpu.dma_semaphore, #tpu.memory_space<semaphore_mem>>) src(%arg11 : memref<80x144xf32, #tpu.memory_space<vmem>>) dst(%dma_wait3A_57 : memref<80x144xf32, #tpu.memory_space<vmem_shared>>)
      tpu.yield
    }) : () -> ()
    %mul3A_36 = arith.constant 625 : i32
    %mul3A_37 = arith.muli %arg1, %mul3A_36 : i32
    %add3A_38 = arith.constant 560 : i32
    %add3A_39 = arith.addi %mul3A_37, %add3A_38 : i32
    "tpu.region"() ({
      %run_scoped3A = tpu.sem_alloc : memref<!tpu.dma_semaphore, #tpu.memory_space<semaphore_mem>>
      %dma_start3A = arith.constant 0 : i32
      %dma_start3A_52 = arith.constant 0 : i32
      %dma_start3A_53 = tpu.memref_slice %arg11[%dma_start3A, %dma_start3A_52] : memref<80x144xf32, #tpu.memory_space<vmem>> -> memref<65x144xf32, #tpu.memory_space<vmem>>
      %dma_start3A_54 = arith.constant 0 : i32
      %dma_start3A_55 = tpu.memref_slice %arg15[%add3A_39, %dma_start3A_54] : memref<10000x144xf32, #tpu.memory_space<vmem_shared>> -> memref<65x144xf32, #tpu.memory_space<vmem_shared>>
      %dma_start3A_56 = arith.constant 0 : i32
      %dma_start3A_57 = tpu.memref_slice %arg15[%add3A_39, %dma_start3A_56] : memref<10000x144xf32, #tpu.memory_space<vmem_shared>> -> memref<65x144xf32, #tpu.memory_space<vmem_shared>>
      %dma_start3A_58 = arith.constant 0 : i32
      %dma_start3A_59 = arith.constant 0 : i32
      %dma_start3A_60 = tpu.memref_slice %arg11[%dma_start3A_58, %dma_start3A_59] : memref<80x144xf32, #tpu.memory_space<vmem>> -> memref<65x144xf32, #tpu.memory_space<vmem>>
      tpu.enqueue_dma source(%dma_start3A_60 : memref<65x144xf32, #tpu.memory_space<vmem>>) target(%dma_start3A_57 : memref<65x144xf32, #tpu.memory_space<vmem_shared>>) target_semaphore(%run_scoped3A : memref<!tpu.dma_semaphore, #tpu.memory_space<semaphore_mem>>)
      %dma_wait3A = arith.constant 0 : i32
      %dma_wait3A_61 = arith.constant 0 : i32
      %dma_wait3A_62 = tpu.memref_slice %arg11[%dma_wait3A, %dma_wait3A_61] : memref<80x144xf32, #tpu.memory_space<vmem>> -> memref<65x144xf32, #tpu.memory_space<vmem>>
      %dma_wait3A_63 = arith.constant 0 : i32
      %dma_wait3A_64 = tpu.memref_slice %arg15[%add3A_39, %dma_wait3A_63] : memref<10000x144xf32, #tpu.memory_space<vmem_shared>> -> memref<65x144xf32, #tpu.memory_space<vmem_shared>>
      %dma_wait3A_65 = arith.constant 0 : i32
      %dma_wait3A_66 = tpu.memref_slice %arg15[%add3A_39, %dma_wait3A_65] : memref<10000x144xf32, #tpu.memory_space<vmem_shared>> -> memref<65x144xf32, #tpu.memory_space<vmem_shared>>
      %dma_wait3A_67 = arith.constant 0 : i32
      %dma_wait3A_68 = arith.constant 0 : i32
      %dma_wait3A_69 = tpu.memref_slice %arg11[%dma_wait3A_67, %dma_wait3A_68] : memref<80x144xf32, #tpu.memory_space<vmem>> -> memref<65x144xf32, #tpu.memory_space<vmem>>
      tpu.wait_dma2 semaphore(%run_scoped3A : memref<!tpu.dma_semaphore, #tpu.memory_space<semaphore_mem>>) src(%dma_wait3A_69 : memref<65x144xf32, #tpu.memory_space<vmem>>) dst(%dma_wait3A_66 : memref<65x144xf32, #tpu.memory_space<vmem_shared>>)
      tpu.yield
    }) : () -> ()
    %barrier3A = arith.constant 0 : index
    tpu.barrier barrier_id(%barrier3A)
    %scan3A_40 = arith.constant 0 : i32
    %scan3A_41 = arith.constant 0 : i32
    %scan3A_42 = arith.constant 125 : i32
    %scan3A_43 = arith.addi %scan3A_41, %scan3A_42 : i32
    %scan3A_44 = arith.constant 1 : i32
    %scan3A_45 = scf.for %scan3A_52 = %scan3A_41 to %scan3A_43 step %scan3A_44 iter_args(%scan3A_53 = %scan3A_40) -> (i32)  : i32 {
      %mul3A_54 = arith.constant 10000 : i32
      %mul3A_55 = arith.muli %add3A, %mul3A_54 : i32
      %mul3A_56 = arith.constant 80 : i32
      %mul3A_57 = arith.muli %scan3A_52, %mul3A_56 : i32
      %add3A_58 = arith.addi %mul3A_55, %mul3A_57 : i32
      %run_scoped3A = arith.constant 1 : i32
      "tpu.region"() ({
        %run_scoped3A_977 = tpu.sem_alloc : memref<!tpu.dma_semaphore, #tpu.memory_space<semaphore_mem>>
        %dma_start3A_978 = tpu.memref_slice %arg5[%run_scoped3A, %add3A_58] : memref<2x320000xi32, #tpu.memory_space<hbm>> -> memref<1x80xi32, #tpu.memory_space<hbm>>
        %dma_start3A_979 = tpu.memref_squeeze %dma_start3A_978 : memref<1x80xi32, #tpu.memory_space<hbm>> -> memref<80xi32, #tpu.memory_space<hbm>>
        %dma_start3A_980 = tpu.memref_slice %arg5[%run_scoped3A, %add3A_58] : memref<2x320000xi32, #tpu.memory_space<hbm>> -> memref<1x80xi32, #tpu.memory_space<hbm>>
        %dma_start3A_981 = tpu.memref_squeeze %dma_start3A_980 : memref<1x80xi32, #tpu.memory_space<hbm>> -> memref<80xi32, #tpu.memory_space<hbm>>
        tpu.enqueue_dma source(%dma_start3A_981 : memref<80xi32, #tpu.memory_space<hbm>>) target(%arg7 : memref<80xi32, #tpu.memory_space<vmem>>) target_semaphore(%run_scoped3A_977 : memref<!tpu.dma_semaphore, #tpu.memory_space<semaphore_mem>>)
        %dma_wait3A_982 = tpu.memref_slice %arg5[%run_scoped3A, %add3A_58] : memref<2x320000xi32, #tpu.memory_space<hbm>> -> memref<1x80xi32, #tpu.memory_space<hbm>>
        %dma_wait3A_983 = tpu.memref_squeeze %dma_wait3A_982 : memref<1x80xi32, #tpu.memory_space<hbm>> -> memref<80xi32, #tpu.memory_space<hbm>>
        %dma_wait3A_984 = tpu.memref_slice %arg5[%run_scoped3A, %add3A_58] : memref<2x320000xi32, #tpu.memory_space<hbm>> -> memref<1x80xi32, #tpu.memory_space<hbm>>
        %dma_wait3A_985 = tpu.memref_squeeze %dma_wait3A_984 : memref<1x80xi32, #tpu.memory_space<hbm>> -> memref<80xi32, #tpu.memory_space<hbm>>
        tpu.wait_dma2 semaphore(%run_scoped3A_977 : memref<!tpu.dma_semaphore, #tpu.memory_space<semaphore_mem>>) src(%dma_wait3A_985 : memref<80xi32, #tpu.memory_space<hbm>>) dst(%arg7 : memref<80xi32, #tpu.memory_space<vmem>>)
        tpu.yield
      }) : () -> ()
      %run_scoped3A_59 = arith.constant 0 : i32
      "tpu.region"() ({
        %run_scoped3A_977 = tpu.sem_alloc : memref<!tpu.dma_semaphore, #tpu.memory_space<semaphore_mem>>
        %dma_start3A_978 = tpu.memref_slice %arg5[%run_scoped3A_59, %add3A_58] : memref<2x320000xi32, #tpu.memory_space<hbm>> -> memref<1x80xi32, #tpu.memory_space<hbm>>
        %dma_start3A_979 = tpu.memref_squeeze %dma_start3A_978 : memref<1x80xi32, #tpu.memory_space<hbm>> -> memref<80xi32, #tpu.memory_space<hbm>>
        %dma_start3A_980 = tpu.memref_slice %arg5[%run_scoped3A_59, %add3A_58] : memref<2x320000xi32, #tpu.memory_space<hbm>> -> memref<1x80xi32, #tpu.memory_space<hbm>>
        %dma_start3A_981 = tpu.memref_squeeze %dma_start3A_980 : memref<1x80xi32, #tpu.memory_space<hbm>> -> memref<80xi32, #tpu.memory_space<hbm>>
        tpu.enqueue_dma source(%dma_start3A_981 : memref<80xi32, #tpu.memory_space<hbm>>) target(%arg8 : memref<80xi32, #tpu.memory_space<vmem>>) target_semaphore(%run_scoped3A_977 : memref<!tpu.dma_semaphore, #tpu.memory_space<semaphore_mem>>)
        %dma_wait3A_982 = tpu.memref_slice %arg5[%run_scoped3A_59, %add3A_58] : memref<2x320000xi32, #tpu.memory_space<hbm>> -> memref<1x80xi32, #tpu.memory_space<hbm>>
        %dma_wait3A_983 = tpu.memref_squeeze %dma_wait3A_982 : memref<1x80xi32, #tpu.memory_space<hbm>> -> memref<80xi32, #tpu.memory_space<hbm>>
        %dma_wait3A_984 = tpu.memref_slice %arg5[%run_scoped3A_59, %add3A_58] : memref<2x320000xi32, #tpu.memory_space<hbm>> -> memref<1x80xi32, #tpu.memory_space<hbm>>
        %dma_wait3A_985 = tpu.memref_squeeze %dma_wait3A_984 : memref<1x80xi32, #tpu.memory_space<hbm>> -> memref<80xi32, #tpu.memory_space<hbm>>
        tpu.wait_dma2 semaphore(%run_scoped3A_977 : memref<!tpu.dma_semaphore, #tpu.memory_space<semaphore_mem>>) src(%dma_wait3A_985 : memref<80xi32, #tpu.memory_space<hbm>>) dst(%arg8 : memref<80xi32, #tpu.memory_space<vmem>>)
        tpu.yield
      }) : () -> ()
      %dma_start3A = arith.constant 0 : i32
      %dma_start3A_60 = arith.constant 0 : i32
      %dma_start3A_61 = tpu.memref_slice %arg2[%dma_start3A, %dma_start3A_60] : memref<10000x128xf32, #tpu.memory_space<hbm>> -> memref<10000x128xf32, #tpu.memory_space<hbm>>
      tpu.enqueue_indirect_dma source(%dma_start3A_61 : memref<10000x128xf32, #tpu.memory_space<hbm>>) target(%arg9 : memref<80x128xf32, #tpu.memory_space<vmem>>) offsets(%arg7 : memref<80xi32, #tpu.memory_space<vmem>>) semaphore(%arg14 : memref<!tpu.dma_semaphore, #tpu.memory_space<semaphore_mem>>)
      %dma_start3A_62 = arith.constant 0 : i32
      %dma_start3A_63 = arith.constant 0 : i32
      %dma_start3A_64 = tpu.memref_slice %arg3[%dma_start3A_62, %dma_start3A_63] : memref<10000x128xf32, #tpu.memory_space<hbm>> -> memref<10000x128xf32, #tpu.memory_space<hbm>>
      tpu.enqueue_indirect_dma source(%dma_start3A_64 : memref<10000x128xf32, #tpu.memory_space<hbm>>) target(%arg10 : memref<80x128xf32, #tpu.memory_space<vmem>>) offsets(%arg8 : memref<80xi32, #tpu.memory_space<vmem>>) semaphore(%arg14 : memref<!tpu.dma_semaphore, #tpu.memory_space<semaphore_mem>>)
      %dma_wait3A = arith.constant 0 : i32
      %dma_wait3A_65 = arith.constant 0 : i32
      %dma_wait3A_66 = tpu.memref_slice %arg2[%dma_wait3A, %dma_wait3A_65] : memref<10000x128xf32, #tpu.memory_space<hbm>> -> memref<10000x128xf32, #tpu.memory_space<hbm>>
      tpu.wait_indirect_dma semaphore(%arg14 : memref<!tpu.dma_semaphore, #tpu.memory_space<semaphore_mem>>) src(%dma_wait3A_66 : memref<10000x128xf32, #tpu.memory_space<hbm>>) dst(%arg9 : memref<80x128xf32, #tpu.memory_space<vmem>>)
      %dma_wait3A_67 = arith.constant 0 : i32
      %dma_wait3A_68 = arith.constant 0 : i32
      %dma_wait3A_69 = tpu.memref_slice %arg3[%dma_wait3A_67, %dma_wait3A_68] : memref<10000x128xf32, #tpu.memory_space<hbm>> -> memref<10000x128xf32, #tpu.memory_space<hbm>>
      tpu.wait_indirect_dma semaphore(%arg14 : memref<!tpu.dma_semaphore, #tpu.memory_space<semaphore_mem>>) src(%dma_wait3A_69 : memref<10000x128xf32, #tpu.memory_space<hbm>>) dst(%arg10 : memref<80x128xf32, #tpu.memory_space<vmem>>)
      %scan3A_70 = arith.constant 0 : i32
      %scan3A_71 = arith.constant 0 : i32
      %scan3A_72 = arith.constant 5 : i32
      %scan3A_73 = arith.addi %scan3A_71, %scan3A_72 : i32
      %scan3A_74 = arith.constant 1 : i32
      %scan3A_75 = scf.for %scan3A_977 = %scan3A_71 to %scan3A_73 step %scan3A_74 iter_args(%scan3A_978 = %scan3A_70) -> (i32)  : i32 {
        %scan3A_979 = arith.constant 0 : i32
        %scan3A_980 = arith.constant 0 : i32
        %scan3A_981 = arith.constant 16 : i32
        %scan3A_982 = arith.addi %scan3A_980, %scan3A_981 : i32
        %scan3A_983 = arith.constant 1 : i32
        %scan3A_984 = scf.for %scan3A_987 = %scan3A_980 to %scan3A_982 step %scan3A_983 iter_args(%scan3A_988 = %scan3A_979) -> (i32)  : i32 {
          %mul3A_989 = arith.constant 16 : i32
          %mul3A_990 = arith.muli %scan3A_977, %mul3A_989 : i32
          %add3A_991 = arith.addi %mul3A_990, %scan3A_987 : i32
          %get3A = arith.index_cast %add3A_991 : i32 to index
          %get3A_992 = arith.constant 0 : index
          %get3A_993 = tpu.vector_load %arg9[%get3A, %get3A_992] {strides = array<i32>} : memref<80x128xf32, #tpu.memory_space<vmem>>, vector<16xf32>,
          %get3A_994 = arith.index_cast %add3A_991 : i32 to index
          %get3A_995 = arith.constant 0 : index
          %get3A_996 = tpu.vector_load %arg10[%get3A_994, %get3A_995] {strides = array<i32>} : memref<80x128xf32, #tpu.memory_space<vmem>>, vector<16xf32>,
          %mul3A_997 = arith.mulf %get3A_993, %get3A_996 : vector<16xf32>
          %get3A_998 = arith.index_cast %add3A_991 : i32 to index
          %get3A_999 = arith.constant 16 : index
          %get3A_1000 = tpu.vector_load %arg9[%get3A_998, %get3A_999] {strides = array<i32>} : memref<80x128xf32, #tpu.memory_space<vmem>>, vector<16xf32>,
          %get3A_1001 = arith.index_cast %add3A_991 : i32 to index
          %get3A_1002 = arith.constant 16 : index
          %get3A_1003 = tpu.vector_load %arg10[%get3A_1001, %get3A_1002] {strides = array<i32>} : memref<80x128xf32, #tpu.memory_space<vmem>>, vector<16xf32>,
          %mul3A_1004 = arith.mulf %get3A_1000, %get3A_1003 : vector<16xf32>
          %add3A_1005 = arith.addf %mul3A_997, %mul3A_1004 : vector<16xf32>
          %get3A_1006 = arith.index_cast %add3A_991 : i32 to index
          %get3A_1007 = arith.constant 32 : index
          %get3A_1008 = tpu.vector_load %arg9[%get3A_1006, %get3A_1007] {strides = array<i32>} : memref<80x128xf32, #tpu.memory_space<vmem>>, vector<16xf32>,
          %get3A_1009 = arith.index_cast %add3A_991 : i32 to index
          %get3A_1010 = arith.constant 32 : index
          %get3A_1011 = tpu.vector_load %arg10[%get3A_1009, %get3A_1010] {strides = array<i32>} : memref<80x128xf32, #tpu.memory_space<vmem>>, vector<16xf32>,
          %mul3A_1012 = arith.mulf %get3A_1008, %get3A_1011 : vector<16xf32>
          %add3A_1013 = arith.addf %add3A_1005, %mul3A_1012 : vector<16xf32>
          %get3A_1014 = arith.index_cast %add3A_991 : i32 to index
          %get3A_1015 = arith.constant 48 : index
          %get3A_1016 = tpu.vector_load %arg9[%get3A_1014, %get3A_1015] {strides = array<i32>} : memref<80x128xf32, #tpu.memory_space<vmem>>, vector<16xf32>,
          %get3A_1017 = arith.index_cast %add3A_991 : i32 to index
          %get3A_1018 = arith.constant 48 : index
          %get3A_1019 = tpu.vector_load %arg10[%get3A_1017, %get3A_1018] {strides = array<i32>} : memref<80x128xf32, #tpu.memory_space<vmem>>, vector<16xf32>,
          %mul3A_1020 = arith.mulf %get3A_1016, %get3A_1019 : vector<16xf32>
          %add3A_1021 = arith.addf %add3A_1013, %mul3A_1020 : vector<16xf32>
          %get3A_1022 = arith.index_cast %add3A_991 : i32 to index
          %get3A_1023 = arith.constant 64 : index
          %get3A_1024 = tpu.vector_load %arg9[%get3A_1022, %get3A_1023] {strides = array<i32>} : memref<80x128xf32, #tpu.memory_space<vmem>>, vector<16xf32>,
          %get3A_1025 = arith.index_cast %add3A_991 : i32 to index
          %get3A_1026 = arith.constant 64 : index
          %get3A_1027 = tpu.vector_load %arg10[%get3A_1025, %get3A_1026] {strides = array<i32>} : memref<80x128xf32, #tpu.memory_space<vmem>>, vector<16xf32>,
          %mul3A_1028 = arith.mulf %get3A_1024, %get3A_1027 : vector<16xf32>
          %add3A_1029 = arith.addf %add3A_1021, %mul3A_1028 : vector<16xf32>
          %get3A_1030 = arith.index_cast %add3A_991 : i32 to index
          %get3A_1031 = arith.constant 80 : index
          %get3A_1032 = tpu.vector_load %arg9[%get3A_1030, %get3A_1031] {strides = array<i32>} : memref<80x128xf32, #tpu.memory_space<vmem>>, vector<16xf32>,
          %get3A_1033 = arith.index_cast %add3A_991 : i32 to index
          %get3A_1034 = arith.constant 80 : index
          %get3A_1035 = tpu.vector_load %arg10[%get3A_1033, %get3A_1034] {strides = array<i32>} : memref<80x128xf32, #tpu.memory_space<vmem>>, vector<16xf32>,
          %mul3A_1036 = arith.mulf %get3A_1032, %get3A_1035 : vector<16xf32>
          %add3A_1037 = arith.addf %add3A_1029, %mul3A_1036 : vector<16xf32>
          %get3A_1038 = arith.index_cast %add3A_991 : i32 to index
          %get3A_1039 = arith.constant 96 : index
          %get3A_1040 = tpu.vector_load %arg9[%get3A_1038, %get3A_1039] {strides = array<i32>} : memref<80x128xf32, #tpu.memory_space<vmem>>, vector<16xf32>,
          %get3A_1041 = arith.index_cast %add3A_991 : i32 to index
          %get3A_1042 = arith.constant 96 : index
          %get3A_1043 = tpu.vector_load %arg10[%get3A_1041, %get3A_1042] {strides = array<i32>} : memref<80x128xf32, #tpu.memory_space<vmem>>, vector<16xf32>,
          %mul3A_1044 = arith.mulf %get3A_1040, %get3A_1043 : vector<16xf32>
          %add3A_1045 = arith.addf %add3A_1037, %mul3A_1044 : vector<16xf32>
          %get3A_1046 = arith.index_cast %add3A_991 : i32 to index
          %get3A_1047 = arith.constant 112 : index
          %get3A_1048 = tpu.vector_load %arg9[%get3A_1046, %get3A_1047] {strides = array<i32>} : memref<80x128xf32, #tpu.memory_space<vmem>>, vector<16xf32>,
          %get3A_1049 = arith.index_cast %add3A_991 : i32 to index
          %get3A_1050 = arith.constant 112 : index
          %get3A_1051 = tpu.vector_load %arg10[%get3A_1049, %get3A_1050] {strides = array<i32>} : memref<80x128xf32, #tpu.memory_space<vmem>>, vector<16xf32>,
          %mul3A_1052 = arith.mulf %get3A_1048, %get3A_1051 : vector<16xf32>
          %add3A_1053 = arith.addf %add3A_1045, %mul3A_1052 : vector<16xf32>
          %mul3A_1054 = arith.constant 16 : i32
          %mul3A_1055 = arith.muli %scan3A_977, %mul3A_1054 : i32
          %add3A_1056 = arith.addi %mul3A_1055, %scan3A_987 : i32
          %mul3A_1057 = arith.constant 16 : i32
          %mul3A_1058 = arith.muli %add3A_1056, %mul3A_1057 : i32
          %swap3A_1059 = arith.index_cast %mul3A_1058 : i32 to index
          %swap3A_1060 = tpu.vector_load %arg12[%swap3A_1059] {strides = array<i32>} : memref<1280xf32, #tpu.memory_space<vmem>>, vector<16xf32>,
          tpu.vector_store %arg12[%swap3A_1059], %add3A_1053 {strides = array<i32>} : memref<1280xf32, #tpu.memory_space<vmem>>, vector<16xf32>,
          %scan3A_1061 = arith.constant 0 : i32
          scf.yield %scan3A_1061 : i32
        }
        %scan3A_985 = arith.constant 16 : i32
        %scan3A_986 = arith.constant 0 : i32
        scf.yield %scan3A_986 : i32
      }
      %scan3A_76 = arith.constant 5 : i32
      %dma_start3A_77 = arith.constant 0 : i32
      %dma_start3A_78 = arith.constant 0 : i32
      %dma_start3A_79 = tpu.memref_slice %arg4[%dma_start3A_77, %dma_start3A_78] : memref<10000x128xf32, #tpu.memory_space<hbm>> -> memref<10000x128xf32, #tpu.memory_space<hbm>>
      tpu.enqueue_indirect_dma source(%dma_start3A_79 : memref<10000x128xf32, #tpu.memory_space<hbm>>) target(%arg10 : memref<80x128xf32, #tpu.memory_space<vmem>>) offsets(%arg8 : memref<80xi32, #tpu.memory_space<vmem>>) semaphore(%arg14 : memref<!tpu.dma_semaphore, #tpu.memory_space<semaphore_mem>>)
      %mul3A_80 = arith.constant 16 : i32
      %mul3A_81 = vector.broadcast %mul3A_80 : i32 to vector<16xi32>
      %mul3A_82 = arith.muli %iota3A, %mul3A_81 : vector<16xi32>
      %add3A_83 = arith.constant 0 : i32
      %add3A_84 = vector.broadcast %add3A_83 : i32 to vector<16xi32>
      %add3A_85 = arith.addi %add3A_84, %mul3A_82 : vector<16xi32>
      %gather3A = tpu.vector_load_idx %arg12[%add3A_85] : memref<1280xf32, #tpu.memory_space<vmem>>[vector<16xi32>], vector<16xf32>,
      %mul3A_86 = arith.constant 16 : i32
      %mul3A_87 = vector.broadcast %mul3A_86 : i32 to vector<16xi32>
      %mul3A_88 = arith.muli %iota3A, %mul3A_87 : vector<16xi32>
      %add3A_89 = arith.constant 0 : i32
      %add3A_90 = vector.broadcast %add3A_89 : i32 to vector<16xi32>
      %add3A_91 = arith.addi %add3A_90, %mul3A_88 : vector<16xi32>
      %add3A_92 = arith.constant 1 : i32
      %add3A_93 = vector.broadcast %add3A_92 : i32 to vector<16xi32>
      %add3A_94 = arith.addi %add3A_91, %add3A_93 : vector<16xi32>
      %gather3A_95 = tpu.vector_load_idx %arg12[%add3A_94] : memref<1280xf32, #tpu.memory_space<vmem>>[vector<16xi32>], vector<16xf32>,
      %add3A_96 = arith.addf %gather3A, %gather3A_95 : vector<16xf32>
      %mul3A_97 = arith.constant 16 : i32
      %mul3A_98 = vector.broadcast %mul3A_97 : i32 to vector<16xi32>
      %mul3A_99 = arith.muli %iota3A, %mul3A_98 : vector<16xi32>
      %add3A_100 = arith.constant 0 : i32
      %add3A_101 = vector.broadcast %add3A_100 : i32 to vector<16xi32>
      %add3A_102 = arith.addi %add3A_101, %mul3A_99 : vector<16xi32>
      %add3A_103 = arith.constant 2 : i32
      %add3A_104 = vector.broadcast %add3A_103 : i32 to vector<16xi32>
      %add3A_105 = arith.addi %add3A_102, %add3A_104 : vector<16xi32>
      %gather3A_106 = tpu.vector_load_idx %arg12[%add3A_105] : memref<1280xf32, #tpu.memory_space<vmem>>[vector<16xi32>], vector<16xf32>,
      %add3A_107 = arith.addf %add3A_96, %gather3A_106 : vector<16xf32>
      %mul3A_108 = arith.constant 16 : i32
      %mul3A_109 = vector.broadcast %mul3A_108 : i32 to vector<16xi32>
      %mul3A_110 = arith.muli %iota3A, %mul3A_109 : vector<16xi32>
      %add3A_111 = arith.constant 0 : i32
      %add3A_112 = vector.broadcast %add3A_111 : i32 to vector<16xi32>
      %add3A_113 = arith.addi %add3A_112, %mul3A_110 : vector<16xi32>
      %add3A_114 = arith.constant 3 : i32
      %add3A_115 = vector.broadcast %add3A_114 : i32 to vector<16xi32>
      %add3A_116 = arith.addi %add3A_113, %add3A_115 : vector<16xi32>
      %gather3A_117 = tpu.vector_load_idx %arg12[%add3A_116] : memref<1280xf32, #tpu.memory_space<vmem>>[vector<16xi32>], vector<16xf32>,
      %add3A_118 = arith.addf %add3A_107, %gather3A_117 : vector<16xf32>
      %mul3A_119 = arith.constant 16 : i32
      %mul3A_120 = vector.broadcast %mul3A_119 : i32 to vector<16xi32>
      %mul3A_121 = arith.muli %iota3A, %mul3A_120 : vector<16xi32>
      %add3A_122 = arith.constant 0 : i32
      %add3A_123 = vector.broadcast %add3A_122 : i32 to vector<16xi32>
      %add3A_124 = arith.addi %add3A_123, %mul3A_121 : vector<16xi32>
      %add3A_125 = arith.constant 4 : i32
      %add3A_126 = vector.broadcast %add3A_125 : i32 to vector<16xi32>
      %add3A_127 = arith.addi %add3A_124, %add3A_126 : vector<16xi32>
      %gather3A_128 = tpu.vector_load_idx %arg12[%add3A_127] : memref<1280xf32, #tpu.memory_space<vmem>>[vector<16xi32>], vector<16xf32>,
      %add3A_129 = arith.addf %add3A_118, %gather3A_128 : vector<16xf32>
      %mul3A_130 = arith.constant 16 : i32
      %mul3A_131 = vector.broadcast %mul3A_130 : i32 to vector<16xi32>
      %mul3A_132 = arith.muli %iota3A, %mul3A_131 : vector<16xi32>
      %add3A_133 = arith.constant 0 : i32
      %add3A_134 = vector.broadcast %add3A_133 : i32 to vector<16xi32>
      %add3A_135 = arith.addi %add3A_134, %mul3A_132 : vector<16xi32>
      %add3A_136 = arith.constant 5 : i32
      %add3A_137 = vector.broadcast %add3A_136 : i32 to vector<16xi32>
      %add3A_138 = arith.addi %add3A_135, %add3A_137 : vector<16xi32>
      %gather3A_139 = tpu.vector_load_idx %arg12[%add3A_138] : memref<1280xf32, #tpu.memory_space<vmem>>[vector<16xi32>], vector<16xf32>,
      %add3A_140 = arith.addf %add3A_129, %gather3A_139 : vector<16xf32>
      %mul3A_141 = arith.constant 16 : i32
      %mul3A_142 = vector.broadcast %mul3A_141 : i32 to vector<16xi32>
      %mul3A_143 = arith.muli %iota3A, %mul3A_142 : vector<16xi32>
      %add3A_144 = arith.constant 0 : i32
      %add3A_145 = vector.broadcast %add3A_144 : i32 to vector<16xi32>
      %add3A_146 = arith.addi %add3A_145, %mul3A_143 : vector<16xi32>
      %add3A_147 = arith.constant 6 : i32
      %add3A_148 = vector.broadcast %add3A_147 : i32 to vector<16xi32>
      %add3A_149 = arith.addi %add3A_146, %add3A_148 : vector<16xi32>
      %gather3A_150 = tpu.vector_load_idx %arg12[%add3A_149] : memref<1280xf32, #tpu.memory_space<vmem>>[vector<16xi32>], vector<16xf32>,
      %add3A_151 = arith.addf %add3A_140, %gather3A_150 : vector<16xf32>
      %mul3A_152 = arith.constant 16 : i32
      %mul3A_153 = vector.broadcast %mul3A_152 : i32 to vector<16xi32>
      %mul3A_154 = arith.muli %iota3A, %mul3A_153 : vector<16xi32>
      %add3A_155 = arith.constant 0 : i32
      %add3A_156 = vector.broadcast %add3A_155 : i32 to vector<16xi32>
      %add3A_157 = arith.addi %add3A_156, %mul3A_154 : vector<16xi32>
      %add3A_158 = arith.constant 7 : i32
      %add3A_159 = vector.broadcast %add3A_158 : i32 to vector<16xi32>
      %add3A_160 = arith.addi %add3A_157, %add3A_159 : vector<16xi32>
      %gather3A_161 = tpu.vector_load_idx %arg12[%add3A_160] : memref<1280xf32, #tpu.memory_space<vmem>>[vector<16xi32>], vector<16xf32>,
      %add3A_162 = arith.addf %add3A_151, %gather3A_161 : vector<16xf32>
      %mul3A_163 = arith.constant 16 : i32
      %mul3A_164 = vector.broadcast %mul3A_163 : i32 to vector<16xi32>
      %mul3A_165 = arith.muli %iota3A, %mul3A_164 : vector<16xi32>
      %add3A_166 = arith.constant 0 : i32
      %add3A_167 = vector.broadcast %add3A_166 : i32 to vector<16xi32>
      %add3A_168 = arith.addi %add3A_167, %mul3A_165 : vector<16xi32>
      %add3A_169 = arith.constant 8 : i32
      %add3A_170 = vector.broadcast %add3A_169 : i32 to vector<16xi32>
      %add3A_171 = arith.addi %add3A_168, %add3A_170 : vector<16xi32>
      %gather3A_172 = tpu.vector_load_idx %arg12[%add3A_171] : memref<1280xf32, #tpu.memory_space<vmem>>[vector<16xi32>], vector<16xf32>,
      %add3A_173 = arith.addf %add3A_162, %gather3A_172 : vector<16xf32>
      %mul3A_174 = arith.constant 16 : i32
      %mul3A_175 = vector.broadcast %mul3A_174 : i32 to vector<16xi32>
      %mul3A_176 = arith.muli %iota3A, %mul3A_175 : vector<16xi32>
      %add3A_177 = arith.constant 0 : i32
      %add3A_178 = vector.broadcast %add3A_177 : i32 to vector<16xi32>
      %add3A_179 = arith.addi %add3A_178, %mul3A_176 : vector<16xi32>
      %add3A_180 = arith.constant 9 : i32
      %add3A_181 = vector.broadcast %add3A_180 : i32 to vector<16xi32>
      %add3A_182 = arith.addi %add3A_179, %add3A_181 : vector<16xi32>
      %gather3A_183 = tpu.vector_load_idx %arg12[%add3A_182] : memref<1280xf32, #tpu.memory_space<vmem>>[vector<16xi32>], vector<16xf32>,
      %add3A_184 = arith.addf %add3A_173, %gather3A_183 : vector<16xf32>
      %mul3A_185 = arith.constant 16 : i32
      %mul3A_186 = vector.broadcast %mul3A_185 : i32 to vector<16xi32>
      %mul3A_187 = arith.muli %iota3A, %mul3A_186 : vector<16xi32>
      %add3A_188 = arith.constant 0 : i32
      %add3A_189 = vector.broadcast %add3A_188 : i32 to vector<16xi32>
      %add3A_190 = arith.addi %add3A_189, %mul3A_187 : vector<16xi32>
      %add3A_191 = arith.constant 10 : i32
      %add3A_192 = vector.broadcast %add3A_191 : i32 to vector<16xi32>
      %add3A_193 = arith.addi %add3A_190, %add3A_192 : vector<16xi32>
      %gather3A_194 = tpu.vector_load_idx %arg12[%add3A_193] : memref<1280xf32, #tpu.memory_space<vmem>>[vector<16xi32>], vector<16xf32>,
      %add3A_195 = arith.addf %add3A_184, %gather3A_194 : vector<16xf32>
      %mul3A_196 = arith.constant 16 : i32
      %mul3A_197 = vector.broadcast %mul3A_196 : i32 to vector<16xi32>
      %mul3A_198 = arith.muli %iota3A, %mul3A_197 : vector<16xi32>
      %add3A_199 = arith.constant 0 : i32
      %add3A_200 = vector.broadcast %add3A_199 : i32 to vector<16xi32>
      %add3A_201 = arith.addi %add3A_200, %mul3A_198 : vector<16xi32>
      %add3A_202 = arith.constant 11 : i32
      %add3A_203 = vector.broadcast %add3A_202 : i32 to vector<16xi32>
      %add3A_204 = arith.addi %add3A_201, %add3A_203 : vector<16xi32>
      %gather3A_205 = tpu.vector_load_idx %arg12[%add3A_204] : memref<1280xf32, #tpu.memory_space<vmem>>[vector<16xi32>], vector<16xf32>,
      %add3A_206 = arith.addf %add3A_195, %gather3A_205 : vector<16xf32>
      %mul3A_207 = arith.constant 16 : i32
      %mul3A_208 = vector.broadcast %mul3A_207 : i32 to vector<16xi32>
      %mul3A_209 = arith.muli %iota3A, %mul3A_208 : vector<16xi32>
      %add3A_210 = arith.constant 0 : i32
      %add3A_211 = vector.broadcast %add3A_210 : i32 to vector<16xi32>
      %add3A_212 = arith.addi %add3A_211, %mul3A_209 : vector<16xi32>
      %add3A_213 = arith.constant 12 : i32
      %add3A_214 = vector.broadcast %add3A_213 : i32 to vector<16xi32>
      %add3A_215 = arith.addi %add3A_212, %add3A_214 : vector<16xi32>
      %gather3A_216 = tpu.vector_load_idx %arg12[%add3A_215] : memref<1280xf32, #tpu.memory_space<vmem>>[vector<16xi32>], vector<16xf32>,
      %add3A_217 = arith.addf %add3A_206, %gather3A_216 : vector<16xf32>
      %mul3A_218 = arith.constant 16 : i32
      %mul3A_219 = vector.broadcast %mul3A_218 : i32 to vector<16xi32>
      %mul3A_220 = arith.muli %iota3A, %mul3A_219 : vector<16xi32>
      %add3A_221 = arith.constant 0 : i32
      %add3A_222 = vector.broadcast %add3A_221 : i32 to vector<16xi32>
      %add3A_223 = arith.addi %add3A_222, %mul3A_220 : vector<16xi32>
      %add3A_224 = arith.constant 13 : i32
      %add3A_225 = vector.broadcast %add3A_224 : i32 to vector<16xi32>
      %add3A_226 = arith.addi %add3A_223, %add3A_225 : vector<16xi32>
      %gather3A_227 = tpu.vector_load_idx %arg12[%add3A_226] : memref<1280xf32, #tpu.memory_space<vmem>>[vector<16xi32>], vector<16xf32>,
      %add3A_228 = arith.addf %add3A_217, %gather3A_227 : vector<16xf32>
      %mul3A_229 = arith.constant 16 : i32
      %mul3A_230 = vector.broadcast %mul3A_229 : i32 to vector<16xi32>
      %mul3A_231 = arith.muli %iota3A, %mul3A_230 : vector<16xi32>
      %add3A_232 = arith.constant 0 : i32
      %add3A_233 = vector.broadcast %add3A_232 : i32 to vector<16xi32>
      %add3A_234 = arith.addi %add3A_233, %mul3A_231 : vector<16xi32>
      %add3A_235 = arith.constant 14 : i32
      %add3A_236 = vector.broadcast %add3A_235 : i32 to vector<16xi32>
      %add3A_237 = arith.addi %add3A_234, %add3A_236 : vector<16xi32>
      %gather3A_238 = tpu.vector_load_idx %arg12[%add3A_237] : memref<1280xf32, #tpu.memory_space<vmem>>[vector<16xi32>], vector<16xf32>,
      %add3A_239 = arith.addf %add3A_228, %gather3A_238 : vector<16xf32>
      %mul3A_240 = arith.constant 16 : i32
      %mul3A_241 = vector.broadcast %mul3A_240 : i32 to vector<16xi32>
      %mul3A_242 = arith.muli %iota3A, %mul3A_241 : vector<16xi32>
      %add3A_243 = arith.constant 0 : i32
      %add3A_244 = vector.broadcast %add3A_243 : i32 to vector<16xi32>
      %add3A_245 = arith.addi %add3A_244, %mul3A_242 : vector<16xi32>
      %add3A_246 = arith.constant 15 : i32
      %add3A_247 = vector.broadcast %add3A_246 : i32 to vector<16xi32>
      %add3A_248 = arith.addi %add3A_245, %add3A_247 : vector<16xi32>
      %gather3A_249 = tpu.vector_load_idx %arg12[%add3A_248] : memref<1280xf32, #tpu.memory_space<vmem>>[vector<16xi32>], vector<16xf32>,
      %add3A_250 = arith.addf %add3A_239, %gather3A_249 : vector<16xf32>
      %min3A = arith.constant 7.000000e+01 : f32
      %min3A_251 = vector.broadcast %min3A : f32 to vector<16xf32>
      %min3A_252 = arith.minimumf %add3A_250, %min3A_251 : vector<16xf32>
      %exp3A = math.exp %min3A_252 : vector<16xf32>
      %swap3A = arith.constant 0 : index
      %swap3A_253 = tpu.vector_load %arg13[%swap3A] {strides = array<i32>} : memref<80xf32, #tpu.memory_space<vmem>>, vector<16xf32>,
      tpu.vector_store %arg13[%swap3A], %exp3A {strides = array<i32>} : memref<80xf32, #tpu.memory_space<vmem>>, vector<16xf32>,
      %mul3A_254 = arith.constant 16 : i32
      %mul3A_255 = vector.broadcast %mul3A_254 : i32 to vector<16xi32>
      %mul3A_256 = arith.muli %iota3A, %mul3A_255 : vector<16xi32>
      %add3A_257 = arith.constant 256 : i32
      %add3A_258 = vector.broadcast %add3A_257 : i32 to vector<16xi32>
      %add3A_259 = arith.addi %add3A_258, %mul3A_256 : vector<16xi32>
      %gather3A_260 = tpu.vector_load_idx %arg12[%add3A_259] : memref<1280xf32, #tpu.memory_space<vmem>>[vector<16xi32>], vector<16xf32>,
      %mul3A_261 = arith.constant 16 : i32
      %mul3A_262 = vector.broadcast %mul3A_261 : i32 to vector<16xi32>
      %mul3A_263 = arith.muli %iota3A, %mul3A_262 : vector<16xi32>
      %add3A_264 = arith.constant 256 : i32
      %add3A_265 = vector.broadcast %add3A_264 : i32 to vector<16xi32>
      %add3A_266 = arith.addi %add3A_265, %mul3A_263 : vector<16xi32>
      %add3A_267 = arith.constant 1 : i32
      %add3A_268 = vector.broadcast %add3A_267 : i32 to vector<16xi32>
      %add3A_269 = arith.addi %add3A_266, %add3A_268 : vector<16xi32>
      %gather3A_270 = tpu.vector_load_idx %arg12[%add3A_269] : memref<1280xf32, #tpu.memory_space<vmem>>[vector<16xi32>], vector<16xf32>,
      %add3A_271 = arith.addf %gather3A_260, %gather3A_270 : vector<16xf32>
      %mul3A_272 = arith.constant 16 : i32
      %mul3A_273 = vector.broadcast %mul3A_272 : i32 to vector<16xi32>
      %mul3A_274 = arith.muli %iota3A, %mul3A_273 : vector<16xi32>
      %add3A_275 = arith.constant 256 : i32
      %add3A_276 = vector.broadcast %add3A_275 : i32 to vector<16xi32>
      %add3A_277 = arith.addi %add3A_276, %mul3A_274 : vector<16xi32>
      %add3A_278 = arith.constant 2 : i32
      %add3A_279 = vector.broadcast %add3A_278 : i32 to vector<16xi32>
      %add3A_280 = arith.addi %add3A_277, %add3A_279 : vector<16xi32>
      %gather3A_281 = tpu.vector_load_idx %arg12[%add3A_280] : memref<1280xf32, #tpu.memory_space<vmem>>[vector<16xi32>], vector<16xf32>,
      %add3A_282 = arith.addf %add3A_271, %gather3A_281 : vector<16xf32>
      %mul3A_283 = arith.constant 16 : i32
      %mul3A_284 = vector.broadcast %mul3A_283 : i32 to vector<16xi32>
      %mul3A_285 = arith.muli %iota3A, %mul3A_284 : vector<16xi32>
      %add3A_286 = arith.constant 256 : i32
      %add3A_287 = vector.broadcast %add3A_286 : i32 to vector<16xi32>
      %add3A_288 = arith.addi %add3A_287, %mul3A_285 : vector<16xi32>
      %add3A_289 = arith.constant 3 : i32
      %add3A_290 = vector.broadcast %add3A_289 : i32 to vector<16xi32>
      %add3A_291 = arith.addi %add3A_288, %add3A_290 : vector<16xi32>
      %gather3A_292 = tpu.vector_load_idx %arg12[%add3A_291] : memref<1280xf32, #tpu.memory_space<vmem>>[vector<16xi32>], vector<16xf32>,
      %add3A_293 = arith.addf %add3A_282, %gather3A_292 : vector<16xf32>
      %mul3A_294 = arith.constant 16 : i32
      %mul3A_295 = vector.broadcast %mul3A_294 : i32 to vector<16xi32>
      %mul3A_296 = arith.muli %iota3A, %mul3A_295 : vector<16xi32>
      %add3A_297 = arith.constant 256 : i32
      %add3A_298 = vector.broadcast %add3A_297 : i32 to vector<16xi32>
      %add3A_299 = arith.addi %add3A_298, %mul3A_296 : vector<16xi32>
      %add3A_300 = arith.constant 4 : i32
      %add3A_301 = vector.broadcast %add3A_300 : i32 to vector<16xi32>
      %add3A_302 = arith.addi %add3A_299, %add3A_301 : vector<16xi32>
      %gather3A_303 = tpu.vector_load_idx %arg12[%add3A_302] : memref<1280xf32, #tpu.memory_space<vmem>>[vector<16xi32>], vector<16xf32>,
      %add3A_304 = arith.addf %add3A_293, %gather3A_303 : vector<16xf32>
      %mul3A_305 = arith.constant 16 : i32
      %mul3A_306 = vector.broadcast %mul3A_305 : i32 to vector<16xi32>
      %mul3A_307 = arith.muli %iota3A, %mul3A_306 : vector<16xi32>
      %add3A_308 = arith.constant 256 : i32
      %add3A_309 = vector.broadcast %add3A_308 : i32 to vector<16xi32>
      %add3A_310 = arith.addi %add3A_309, %mul3A_307 : vector<16xi32>
      %add3A_311 = arith.constant 5 : i32
      %add3A_312 = vector.broadcast %add3A_311 : i32 to vector<16xi32>
      %add3A_313 = arith.addi %add3A_310, %add3A_312 : vector<16xi32>
      %gather3A_314 = tpu.vector_load_idx %arg12[%add3A_313] : memref<1280xf32, #tpu.memory_space<vmem>>[vector<16xi32>], vector<16xf32>,
      %add3A_315 = arith.addf %add3A_304, %gather3A_314 : vector<16xf32>
      %mul3A_316 = arith.constant 16 : i32
      %mul3A_317 = vector.broadcast %mul3A_316 : i32 to vector<16xi32>
      %mul3A_318 = arith.muli %iota3A, %mul3A_317 : vector<16xi32>
      %add3A_319 = arith.constant 256 : i32
      %add3A_320 = vector.broadcast %add3A_319 : i32 to vector<16xi32>
      %add3A_321 = arith.addi %add3A_320, %mul3A_318 : vector<16xi32>
      %add3A_322 = arith.constant 6 : i32
      %add3A_323 = vector.broadcast %add3A_322 : i32 to vector<16xi32>
      %add3A_324 = arith.addi %add3A_321, %add3A_323 : vector<16xi32>
      %gather3A_325 = tpu.vector_load_idx %arg12[%add3A_324] : memref<1280xf32, #tpu.memory_space<vmem>>[vector<16xi32>], vector<16xf32>,
      %add3A_326 = arith.addf %add3A_315, %gather3A_325 : vector<16xf32>
      %mul3A_327 = arith.constant 16 : i32
      %mul3A_328 = vector.broadcast %mul3A_327 : i32 to vector<16xi32>
      %mul3A_329 = arith.muli %iota3A, %mul3A_328 : vector<16xi32>
      %add3A_330 = arith.constant 256 : i32
      %add3A_331 = vector.broadcast %add3A_330 : i32 to vector<16xi32>
      %add3A_332 = arith.addi %add3A_331, %mul3A_329 : vector<16xi32>
      %add3A_333 = arith.constant 7 : i32
      %add3A_334 = vector.broadcast %add3A_333 : i32 to vector<16xi32>
      %add3A_335 = arith.addi %add3A_332, %add3A_334 : vector<16xi32>
      %gather3A_336 = tpu.vector_load_idx %arg12[%add3A_335] : memref<1280xf32, #tpu.memory_space<vmem>>[vector<16xi32>], vector<16xf32>,
      %add3A_337 = arith.addf %add3A_326, %gather3A_336 : vector<16xf32>
      %mul3A_338 = arith.constant 16 : i32
      %mul3A_339 = vector.broadcast %mul3A_338 : i32 to vector<16xi32>
      %mul3A_340 = arith.muli %iota3A, %mul3A_339 : vector<16xi32>
      %add3A_341 = arith.constant 256 : i32
      %add3A_342 = vector.broadcast %add3A_341 : i32 to vector<16xi32>
      %add3A_343 = arith.addi %add3A_342, %mul3A_340 : vector<16xi32>
      %add3A_344 = arith.constant 8 : i32
      %add3A_345 = vector.broadcast %add3A_344 : i32 to vector<16xi32>
      %add3A_346 = arith.addi %add3A_343, %add3A_345 : vector<16xi32>
      %gather3A_347 = tpu.vector_load_idx %arg12[%add3A_346] : memref<1280xf32, #tpu.memory_space<vmem>>[vector<16xi32>], vector<16xf32>,
      %add3A_348 = arith.addf %add3A_337, %gather3A_347 : vector<16xf32>
      %mul3A_349 = arith.constant 16 : i32
      %mul3A_350 = vector.broadcast %mul3A_349 : i32 to vector<16xi32>
      %mul3A_351 = arith.muli %iota3A, %mul3A_350 : vector<16xi32>
      %add3A_352 = arith.constant 256 : i32
      %add3A_353 = vector.broadcast %add3A_352 : i32 to vector<16xi32>
      %add3A_354 = arith.addi %add3A_353, %mul3A_351 : vector<16xi32>
      %add3A_355 = arith.constant 9 : i32
      %add3A_356 = vector.broadcast %add3A_355 : i32 to vector<16xi32>
      %add3A_357 = arith.addi %add3A_354, %add3A_356 : vector<16xi32>
      %gather3A_358 = tpu.vector_load_idx %arg12[%add3A_357] : memref<1280xf32, #tpu.memory_space<vmem>>[vector<16xi32>], vector<16xf32>,
      %add3A_359 = arith.addf %add3A_348, %gather3A_358 : vector<16xf32>
      %mul3A_360 = arith.constant 16 : i32
      %mul3A_361 = vector.broadcast %mul3A_360 : i32 to vector<16xi32>
      %mul3A_362 = arith.muli %iota3A, %mul3A_361 : vector<16xi32>
      %add3A_363 = arith.constant 256 : i32
      %add3A_364 = vector.broadcast %add3A_363 : i32 to vector<16xi32>
      %add3A_365 = arith.addi %add3A_364, %mul3A_362 : vector<16xi32>
      %add3A_366 = arith.constant 10 : i32
      %add3A_367 = vector.broadcast %add3A_366 : i32 to vector<16xi32>
      %add3A_368 = arith.addi %add3A_365, %add3A_367 : vector<16xi32>
      %gather3A_369 = tpu.vector_load_idx %arg12[%add3A_368] : memref<1280xf32, #tpu.memory_space<vmem>>[vector<16xi32>], vector<16xf32>,
      %add3A_370 = arith.addf %add3A_359, %gather3A_369 : vector<16xf32>
      %mul3A_371 = arith.constant 16 : i32
      %mul3A_372 = vector.broadcast %mul3A_371 : i32 to vector<16xi32>
      %mul3A_373 = arith.muli %iota3A, %mul3A_372 : vector<16xi32>
      %add3A_374 = arith.constant 256 : i32
      %add3A_375 = vector.broadcast %add3A_374 : i32 to vector<16xi32>
      %add3A_376 = arith.addi %add3A_375, %mul3A_373 : vector<16xi32>
      %add3A_377 = arith.constant 11 : i32
      %add3A_378 = vector.broadcast %add3A_377 : i32 to vector<16xi32>
      %add3A_379 = arith.addi %add3A_376, %add3A_378 : vector<16xi32>
      %gather3A_380 = tpu.vector_load_idx %arg12[%add3A_379] : memref<1280xf32, #tpu.memory_space<vmem>>[vector<16xi32>], vector<16xf32>,
      %add3A_381 = arith.addf %add3A_370, %gather3A_380 : vector<16xf32>
      %mul3A_382 = arith.constant 16 : i32
      %mul3A_383 = vector.broadcast %mul3A_382 : i32 to vector<16xi32>
      %mul3A_384 = arith.muli %iota3A, %mul3A_383 : vector<16xi32>
      %add3A_385 = arith.constant 256 : i32
      %add3A_386 = vector.broadcast %add3A_385 : i32 to vector<16xi32>
      %add3A_387 = arith.addi %add3A_386, %mul3A_384 : vector<16xi32>
      %add3A_388 = arith.constant 12 : i32
      %add3A_389 = vector.broadcast %add3A_388 : i32 to vector<16xi32>
      %add3A_390 = arith.addi %add3A_387, %add3A_389 : vector<16xi32>
      %gather3A_391 = tpu.vector_load_idx %arg12[%add3A_390] : memref<1280xf32, #tpu.memory_space<vmem>>[vector<16xi32>], vector<16xf32>,
      %add3A_392 = arith.addf %add3A_381, %gather3A_391 : vector<16xf32>
      %mul3A_393 = arith.constant 16 : i32
      %mul3A_394 = vector.broadcast %mul3A_393 : i32 to vector<16xi32>
      %mul3A_395 = arith.muli %iota3A, %mul3A_394 : vector<16xi32>
      %add3A_396 = arith.constant 256 : i32
      %add3A_397 = vector.broadcast %add3A_396 : i32 to vector<16xi32>
      %add3A_398 = arith.addi %add3A_397, %mul3A_395 : vector<16xi32>
      %add3A_399 = arith.constant 13 : i32
      %add3A_400 = vector.broadcast %add3A_399 : i32 to vector<16xi32>
      %add3A_401 = arith.addi %add3A_398, %add3A_400 : vector<16xi32>
      %gather3A_402 = tpu.vector_load_idx %arg12[%add3A_401] : memref<1280xf32, #tpu.memory_space<vmem>>[vector<16xi32>], vector<16xf32>,
      %add3A_403 = arith.addf %add3A_392, %gather3A_402 : vector<16xf32>
      %mul3A_404 = arith.constant 16 : i32
      %mul3A_405 = vector.broadcast %mul3A_404 : i32 to vector<16xi32>
      %mul3A_406 = arith.muli %iota3A, %mul3A_405 : vector<16xi32>
      %add3A_407 = arith.constant 256 : i32
      %add3A_408 = vector.broadcast %add3A_407 : i32 to vector<16xi32>
      %add3A_409 = arith.addi %add3A_408, %mul3A_406 : vector<16xi32>
      %add3A_410 = arith.constant 14 : i32
      %add3A_411 = vector.broadcast %add3A_410 : i32 to vector<16xi32>
      %add3A_412 = arith.addi %add3A_409, %add3A_411 : vector<16xi32>
      %gather3A_413 = tpu.vector_load_idx %arg12[%add3A_412] : memref<1280xf32, #tpu.memory_space<vmem>>[vector<16xi32>], vector<16xf32>,
      %add3A_414 = arith.addf %add3A_403, %gather3A_413 : vector<16xf32>
      %mul3A_415 = arith.constant 16 : i32
      %mul3A_416 = vector.broadcast %mul3A_415 : i32 to vector<16xi32>
      %mul3A_417 = arith.muli %iota3A, %mul3A_416 : vector<16xi32>
      %add3A_418 = arith.constant 256 : i32
      %add3A_419 = vector.broadcast %add3A_418 : i32 to vector<16xi32>
      %add3A_420 = arith.addi %add3A_419, %mul3A_417 : vector<16xi32>
      %add3A_421 = arith.constant 15 : i32
      %add3A_422 = vector.broadcast %add3A_421 : i32 to vector<16xi32>
      %add3A_423 = arith.addi %add3A_420, %add3A_422 : vector<16xi32>
      %gather3A_424 = tpu.vector_load_idx %arg12[%add3A_423] : memref<1280xf32, #tpu.memory_space<vmem>>[vector<16xi32>], vector<16xf32>,
      %add3A_425 = arith.addf %add3A_414, %gather3A_424 : vector<16xf32>
      %min3A_426 = arith.constant 7.000000e+01 : f32
      %min3A_427 = vector.broadcast %min3A_426 : f32 to vector<16xf32>
      %min3A_428 = arith.minimumf %add3A_425, %min3A_427 : vector<16xf32>
      %exp3A_429 = math.exp %min3A_428 : vector<16xf32>
      %swap3A_430 = arith.constant 16 : index
      %swap3A_431 = tpu.vector_load %arg13[%swap3A_430] {strides = array<i32>} : memref<80xf32, #tpu.memory_space<vmem>>, vector<16xf32>,
      tpu.vector_store %arg13[%swap3A_430], %exp3A_429 {strides = array<i32>} : memref<80xf32, #tpu.memory_space<vmem>>, vector<16xf32>,
      %mul3A_432 = arith.constant 16 : i32
      %mul3A_433 = vector.broadcast %mul3A_432 : i32 to vector<16xi32>
      %mul3A_434 = arith.muli %iota3A, %mul3A_433 : vector<16xi32>
      %add3A_435 = arith.constant 512 : i32
      %add3A_436 = vector.broadcast %add3A_435 : i32 to vector<16xi32>
      %add3A_437 = arith.addi %add3A_436, %mul3A_434 : vector<16xi32>
      %gather3A_438 = tpu.vector_load_idx %arg12[%add3A_437] : memref<1280xf32, #tpu.memory_space<vmem>>[vector<16xi32>], vector<16xf32>,
      %mul3A_439 = arith.constant 16 : i32
      %mul3A_440 = vector.broadcast %mul3A_439 : i32 to vector<16xi32>
      %mul3A_441 = arith.muli %iota3A, %mul3A_440 : vector<16xi32>
      %add3A_442 = arith.constant 512 : i32
      %add3A_443 = vector.broadcast %add3A_442 : i32 to vector<16xi32>
      %add3A_444 = arith.addi %add3A_443, %mul3A_441 : vector<16xi32>
      %add3A_445 = arith.constant 1 : i32
      %add3A_446 = vector.broadcast %add3A_445 : i32 to vector<16xi32>
      %add3A_447 = arith.addi %add3A_444, %add3A_446 : vector<16xi32>
      %gather3A_448 = tpu.vector_load_idx %arg12[%add3A_447] : memref<1280xf32, #tpu.memory_space<vmem>>[vector<16xi32>], vector<16xf32>,
      %add3A_449 = arith.addf %gather3A_438, %gather3A_448 : vector<16xf32>
      %mul3A_450 = arith.constant 16 : i32
      %mul3A_451 = vector.broadcast %mul3A_450 : i32 to vector<16xi32>
      %mul3A_452 = arith.muli %iota3A, %mul3A_451 : vector<16xi32>
      %add3A_453 = arith.constant 512 : i32
      %add3A_454 = vector.broadcast %add3A_453 : i32 to vector<16xi32>
      %add3A_455 = arith.addi %add3A_454, %mul3A_452 : vector<16xi32>
      %add3A_456 = arith.constant 2 : i32
      %add3A_457 = vector.broadcast %add3A_456 : i32 to vector<16xi32>
      %add3A_458 = arith.addi %add3A_455, %add3A_457 : vector<16xi32>
      %gather3A_459 = tpu.vector_load_idx %arg12[%add3A_458] : memref<1280xf32, #tpu.memory_space<vmem>>[vector<16xi32>], vector<16xf32>,
      %add3A_460 = arith.addf %add3A_449, %gather3A_459 : vector<16xf32>
      %mul3A_461 = arith.constant 16 : i32
      %mul3A_462 = vector.broadcast %mul3A_461 : i32 to vector<16xi32>
      %mul3A_463 = arith.muli %iota3A, %mul3A_462 : vector<16xi32>
      %add3A_464 = arith.constant 512 : i32
      %add3A_465 = vector.broadcast %add3A_464 : i32 to vector<16xi32>
      %add3A_466 = arith.addi %add3A_465, %mul3A_463 : vector<16xi32>
      %add3A_467 = arith.constant 3 : i32
      %add3A_468 = vector.broadcast %add3A_467 : i32 to vector<16xi32>
      %add3A_469 = arith.addi %add3A_466, %add3A_468 : vector<16xi32>
      %gather3A_470 = tpu.vector_load_idx %arg12[%add3A_469] : memref<1280xf32, #tpu.memory_space<vmem>>[vector<16xi32>], vector<16xf32>,
      %add3A_471 = arith.addf %add3A_460, %gather3A_470 : vector<16xf32>
      %mul3A_472 = arith.constant 16 : i32
      %mul3A_473 = vector.broadcast %mul3A_472 : i32 to vector<16xi32>
      %mul3A_474 = arith.muli %iota3A, %mul3A_473 : vector<16xi32>
      %add3A_475 = arith.constant 512 : i32
      %add3A_476 = vector.broadcast %add3A_475 : i32 to vector<16xi32>
      %add3A_477 = arith.addi %add3A_476, %mul3A_474 : vector<16xi32>
      %add3A_478 = arith.constant 4 : i32
      %add3A_479 = vector.broadcast %add3A_478 : i32 to vector<16xi32>
      %add3A_480 = arith.addi %add3A_477, %add3A_479 : vector<16xi32>
      %gather3A_481 = tpu.vector_load_idx %arg12[%add3A_480] : memref<1280xf32, #tpu.memory_space<vmem>>[vector<16xi32>], vector<16xf32>,
      %add3A_482 = arith.addf %add3A_471, %gather3A_481 : vector<16xf32>
      %mul3A_483 = arith.constant 16 : i32
      %mul3A_484 = vector.broadcast %mul3A_483 : i32 to vector<16xi32>
      %mul3A_485 = arith.muli %iota3A, %mul3A_484 : vector<16xi32>
      %add3A_486 = arith.constant 512 : i32
      %add3A_487 = vector.broadcast %add3A_486 : i32 to vector<16xi32>
      %add3A_488 = arith.addi %add3A_487, %mul3A_485 : vector<16xi32>
      %add3A_489 = arith.constant 5 : i32
      %add3A_490 = vector.broadcast %add3A_489 : i32 to vector<16xi32>
      %add3A_491 = arith.addi %add3A_488, %add3A_490 : vector<16xi32>
      %gather3A_492 = tpu.vector_load_idx %arg12[%add3A_491] : memref<1280xf32, #tpu.memory_space<vmem>>[vector<16xi32>], vector<16xf32>,
      %add3A_493 = arith.addf %add3A_482, %gather3A_492 : vector<16xf32>
      %mul3A_494 = arith.constant 16 : i32
      %mul3A_495 = vector.broadcast %mul3A_494 : i32 to vector<16xi32>
      %mul3A_496 = arith.muli %iota3A, %mul3A_495 : vector<16xi32>
      %add3A_497 = arith.constant 512 : i32
      %add3A_498 = vector.broadcast %add3A_497 : i32 to vector<16xi32>
      %add3A_499 = arith.addi %add3A_498, %mul3A_496 : vector<16xi32>
      %add3A_500 = arith.constant 6 : i32
      %add3A_501 = vector.broadcast %add3A_500 : i32 to vector<16xi32>
      %add3A_502 = arith.addi %add3A_499, %add3A_501 : vector<16xi32>
      %gather3A_503 = tpu.vector_load_idx %arg12[%add3A_502] : memref<1280xf32, #tpu.memory_space<vmem>>[vector<16xi32>], vector<16xf32>,
      %add3A_504 = arith.addf %add3A_493, %gather3A_503 : vector<16xf32>
      %mul3A_505 = arith.constant 16 : i32
      %mul3A_506 = vector.broadcast %mul3A_505 : i32 to vector<16xi32>
      %mul3A_507 = arith.muli %iota3A, %mul3A_506 : vector<16xi32>
      %add3A_508 = arith.constant 512 : i32
      %add3A_509 = vector.broadcast %add3A_508 : i32 to vector<16xi32>
      %add3A_510 = arith.addi %add3A_509, %mul3A_507 : vector<16xi32>
      %add3A_511 = arith.constant 7 : i32
      %add3A_512 = vector.broadcast %add3A_511 : i32 to vector<16xi32>
      %add3A_513 = arith.addi %add3A_510, %add3A_512 : vector<16xi32>
      %gather3A_514 = tpu.vector_load_idx %arg12[%add3A_513] : memref<1280xf32, #tpu.memory_space<vmem>>[vector<16xi32>], vector<16xf32>,
      %add3A_515 = arith.addf %add3A_504, %gather3A_514 : vector<16xf32>
      %mul3A_516 = arith.constant 16 : i32
      %mul3A_517 = vector.broadcast %mul3A_516 : i32 to vector<16xi32>
      %mul3A_518 = arith.muli %iota3A, %mul3A_517 : vector<16xi32>
      %add3A_519 = arith.constant 512 : i32
      %add3A_520 = vector.broadcast %add3A_519 : i32 to vector<16xi32>
      %add3A_521 = arith.addi %add3A_520, %mul3A_518 : vector<16xi32>
      %add3A_522 = arith.constant 8 : i32
      %add3A_523 = vector.broadcast %add3A_522 : i32 to vector<16xi32>
      %add3A_524 = arith.addi %add3A_521, %add3A_523 : vector<16xi32>
      %gather3A_525 = tpu.vector_load_idx %arg12[%add3A_524] : memref<1280xf32, #tpu.memory_space<vmem>>[vector<16xi32>], vector<16xf32>,
      %add3A_526 = arith.addf %add3A_515, %gather3A_525 : vector<16xf32>
      %mul3A_527 = arith.constant 16 : i32
      %mul3A_528 = vector.broadcast %mul3A_527 : i32 to vector<16xi32>
      %mul3A_529 = arith.muli %iota3A, %mul3A_528 : vector<16xi32>
      %add3A_530 = arith.constant 512 : i32
      %add3A_531 = vector.broadcast %add3A_530 : i32 to vector<16xi32>
      %add3A_532 = arith.addi %add3A_531, %mul3A_529 : vector<16xi32>
      %add3A_533 = arith.constant 9 : i32
      %add3A_534 = vector.broadcast %add3A_533 : i32 to vector<16xi32>
      %add3A_535 = arith.addi %add3A_532, %add3A_534 : vector<16xi32>
      %gather3A_536 = tpu.vector_load_idx %arg12[%add3A_535] : memref<1280xf32, #tpu.memory_space<vmem>>[vector<16xi32>], vector<16xf32>,
      %add3A_537 = arith.addf %add3A_526, %gather3A_536 : vector<16xf32>
      %mul3A_538 = arith.constant 16 : i32
      %mul3A_539 = vector.broadcast %mul3A_538 : i32 to vector<16xi32>
      %mul3A_540 = arith.muli %iota3A, %mul3A_539 : vector<16xi32>
      %add3A_541 = arith.constant 512 : i32
      %add3A_542 = vector.broadcast %add3A_541 : i32 to vector<16xi32>
      %add3A_543 = arith.addi %add3A_542, %mul3A_540 : vector<16xi32>
      %add3A_544 = arith.constant 10 : i32
      %add3A_545 = vector.broadcast %add3A_544 : i32 to vector<16xi32>
      %add3A_546 = arith.addi %add3A_543, %add3A_545 : vector<16xi32>
      %gather3A_547 = tpu.vector_load_idx %arg12[%add3A_546] : memref<1280xf32, #tpu.memory_space<vmem>>[vector<16xi32>], vector<16xf32>,
      %add3A_548 = arith.addf %add3A_537, %gather3A_547 : vector<16xf32>
      %mul3A_549 = arith.constant 16 : i32
      %mul3A_550 = vector.broadcast %mul3A_549 : i32 to vector<16xi32>
      %mul3A_551 = arith.muli %iota3A, %mul3A_550 : vector<16xi32>
      %add3A_552 = arith.constant 512 : i32
      %add3A_553 = vector.broadcast %add3A_552 : i32 to vector<16xi32>
      %add3A_554 = arith.addi %add3A_553, %mul3A_551 : vector<16xi32>
      %add3A_555 = arith.constant 11 : i32
      %add3A_556 = vector.broadcast %add3A_555 : i32 to vector<16xi32>
      %add3A_557 = arith.addi %add3A_554, %add3A_556 : vector<16xi32>
      %gather3A_558 = tpu.vector_load_idx %arg12[%add3A_557] : memref<1280xf32, #tpu.memory_space<vmem>>[vector<16xi32>], vector<16xf32>,
      %add3A_559 = arith.addf %add3A_548, %gather3A_558 : vector<16xf32>
      %mul3A_560 = arith.constant 16 : i32
      %mul3A_561 = vector.broadcast %mul3A_560 : i32 to vector<16xi32>
      %mul3A_562 = arith.muli %iota3A, %mul3A_561 : vector<16xi32>
      %add3A_563 = arith.constant 512 : i32
      %add3A_564 = vector.broadcast %add3A_563 : i32 to vector<16xi32>
      %add3A_565 = arith.addi %add3A_564, %mul3A_562 : vector<16xi32>
      %add3A_566 = arith.constant 12 : i32
      %add3A_567 = vector.broadcast %add3A_566 : i32 to vector<16xi32>
      %add3A_568 = arith.addi %add3A_565, %add3A_567 : vector<16xi32>
      %gather3A_569 = tpu.vector_load_idx %arg12[%add3A_568] : memref<1280xf32, #tpu.memory_space<vmem>>[vector<16xi32>], vector<16xf32>,
      %add3A_570 = arith.addf %add3A_559, %gather3A_569 : vector<16xf32>
      %mul3A_571 = arith.constant 16 : i32
      %mul3A_572 = vector.broadcast %mul3A_571 : i32 to vector<16xi32>
      %mul3A_573 = arith.muli %iota3A, %mul3A_572 : vector<16xi32>
      %add3A_574 = arith.constant 512 : i32
      %add3A_575 = vector.broadcast %add3A_574 : i32 to vector<16xi32>
      %add3A_576 = arith.addi %add3A_575, %mul3A_573 : vector<16xi32>
      %add3A_577 = arith.constant 13 : i32
      %add3A_578 = vector.broadcast %add3A_577 : i32 to vector<16xi32>
      %add3A_579 = arith.addi %add3A_576, %add3A_578 : vector<16xi32>
      %gather3A_580 = tpu.vector_load_idx %arg12[%add3A_579] : memref<1280xf32, #tpu.memory_space<vmem>>[vector<16xi32>], vector<16xf32>,
      %add3A_581 = arith.addf %add3A_570, %gather3A_580 : vector<16xf32>
      %mul3A_582 = arith.constant 16 : i32
      %mul3A_583 = vector.broadcast %mul3A_582 : i32 to vector<16xi32>
      %mul3A_584 = arith.muli %iota3A, %mul3A_583 : vector<16xi32>
      %add3A_585 = arith.constant 512 : i32
      %add3A_586 = vector.broadcast %add3A_585 : i32 to vector<16xi32>
      %add3A_587 = arith.addi %add3A_586, %mul3A_584 : vector<16xi32>
      %add3A_588 = arith.constant 14 : i32
      %add3A_589 = vector.broadcast %add3A_588 : i32 to vector<16xi32>
      %add3A_590 = arith.addi %add3A_587, %add3A_589 : vector<16xi32>
      %gather3A_591 = tpu.vector_load_idx %arg12[%add3A_590] : memref<1280xf32, #tpu.memory_space<vmem>>[vector<16xi32>], vector<16xf32>,
      %add3A_592 = arith.addf %add3A_581, %gather3A_591 : vector<16xf32>
      %mul3A_593 = arith.constant 16 : i32
      %mul3A_594 = vector.broadcast %mul3A_593 : i32 to vector<16xi32>
      %mul3A_595 = arith.muli %iota3A, %mul3A_594 : vector<16xi32>
      %add3A_596 = arith.constant 512 : i32
      %add3A_597 = vector.broadcast %add3A_596 : i32 to vector<16xi32>
      %add3A_598 = arith.addi %add3A_597, %mul3A_595 : vector<16xi32>
      %add3A_599 = arith.constant 15 : i32
      %add3A_600 = vector.broadcast %add3A_599 : i32 to vector<16xi32>
      %add3A_601 = arith.addi %add3A_598, %add3A_600 : vector<16xi32>
      %gather3A_602 = tpu.vector_load_idx %arg12[%add3A_601] : memref<1280xf32, #tpu.memory_space<vmem>>[vector<16xi32>], vector<16xf32>,
      %add3A_603 = arith.addf %add3A_592, %gather3A_602 : vector<16xf32>
      %min3A_604 = arith.constant 7.000000e+01 : f32
      %min3A_605 = vector.broadcast %min3A_604 : f32 to vector<16xf32>
      %min3A_606 = arith.minimumf %add3A_603, %min3A_605 : vector<16xf32>
      %exp3A_607 = math.exp %min3A_606 : vector<16xf32>
      %swap3A_608 = arith.constant 32 : index
      %swap3A_609 = tpu.vector_load %arg13[%swap3A_608] {strides = array<i32>} : memref<80xf32, #tpu.memory_space<vmem>>, vector<16xf32>,
      tpu.vector_store %arg13[%swap3A_608], %exp3A_607 {strides = array<i32>} : memref<80xf32, #tpu.memory_space<vmem>>, vector<16xf32>,
      %mul3A_610 = arith.constant 16 : i32
      %mul3A_611 = vector.broadcast %mul3A_610 : i32 to vector<16xi32>
      %mul3A_612 = arith.muli %iota3A, %mul3A_611 : vector<16xi32>
      %add3A_613 = arith.constant 768 : i32
      %add3A_614 = vector.broadcast %add3A_613 : i32 to vector<16xi32>
      %add3A_615 = arith.addi %add3A_614, %mul3A_612 : vector<16xi32>
      %gather3A_616 = tpu.vector_load_idx %arg12[%add3A_615] : memref<1280xf32, #tpu.memory_space<vmem>>[vector<16xi32>], vector<16xf32>,
      %mul3A_617 = arith.constant 16 : i32
      %mul3A_618 = vector.broadcast %mul3A_617 : i32 to vector<16xi32>
      %mul3A_619 = arith.muli %iota3A, %mul3A_618 : vector<16xi32>
      %add3A_620 = arith.constant 768 : i32
      %add3A_621 = vector.broadcast %add3A_620 : i32 to vector<16xi32>
      %add3A_622 = arith.addi %add3A_621, %mul3A_619 : vector<16xi32>
      %add3A_623 = arith.constant 1 : i32
      %add3A_624 = vector.broadcast %add3A_623 : i32 to vector<16xi32>
      %add3A_625 = arith.addi %add3A_622, %add3A_624 : vector<16xi32>
      %gather3A_626 = tpu.vector_load_idx %arg12[%add3A_625] : memref<1280xf32, #tpu.memory_space<vmem>>[vector<16xi32>], vector<16xf32>,
      %add3A_627 = arith.addf %gather3A_616, %gather3A_626 : vector<16xf32>
      %mul3A_628 = arith.constant 16 : i32
      %mul3A_629 = vector.broadcast %mul3A_628 : i32 to vector<16xi32>
      %mul3A_630 = arith.muli %iota3A, %mul3A_629 : vector<16xi32>
      %add3A_631 = arith.constant 768 : i32
      %add3A_632 = vector.broadcast %add3A_631 : i32 to vector<16xi32>
      %add3A_633 = arith.addi %add3A_632, %mul3A_630 : vector<16xi32>
      %add3A_634 = arith.constant 2 : i32
      %add3A_635 = vector.broadcast %add3A_634 : i32 to vector<16xi32>
      %add3A_636 = arith.addi %add3A_633, %add3A_635 : vector<16xi32>
      %gather3A_637 = tpu.vector_load_idx %arg12[%add3A_636] : memref<1280xf32, #tpu.memory_space<vmem>>[vector<16xi32>], vector<16xf32>,
      %add3A_638 = arith.addf %add3A_627, %gather3A_637 : vector<16xf32>
      %mul3A_639 = arith.constant 16 : i32
      %mul3A_640 = vector.broadcast %mul3A_639 : i32 to vector<16xi32>
      %mul3A_641 = arith.muli %iota3A, %mul3A_640 : vector<16xi32>
      %add3A_642 = arith.constant 768 : i32
      %add3A_643 = vector.broadcast %add3A_642 : i32 to vector<16xi32>
      %add3A_644 = arith.addi %add3A_643, %mul3A_641 : vector<16xi32>
      %add3A_645 = arith.constant 3 : i32
      %add3A_646 = vector.broadcast %add3A_645 : i32 to vector<16xi32>
      %add3A_647 = arith.addi %add3A_644, %add3A_646 : vector<16xi32>
      %gather3A_648 = tpu.vector_load_idx %arg12[%add3A_647] : memref<1280xf32, #tpu.memory_space<vmem>>[vector<16xi32>], vector<16xf32>,
      %add3A_649 = arith.addf %add3A_638, %gather3A_648 : vector<16xf32>
      %mul3A_650 = arith.constant 16 : i32
      %mul3A_651 = vector.broadcast %mul3A_650 : i32 to vector<16xi32>
      %mul3A_652 = arith.muli %iota3A, %mul3A_651 : vector<16xi32>
      %add3A_653 = arith.constant 768 : i32
      %add3A_654 = vector.broadcast %add3A_653 : i32 to vector<16xi32>
      %add3A_655 = arith.addi %add3A_654, %mul3A_652 : vector<16xi32>
      %add3A_656 = arith.constant 4 : i32
      %add3A_657 = vector.broadcast %add3A_656 : i32 to vector<16xi32>
      %add3A_658 = arith.addi %add3A_655, %add3A_657 : vector<16xi32>
      %gather3A_659 = tpu.vector_load_idx %arg12[%add3A_658] : memref<1280xf32, #tpu.memory_space<vmem>>[vector<16xi32>], vector<16xf32>,
      %add3A_660 = arith.addf %add3A_649, %gather3A_659 : vector<16xf32>
      %mul3A_661 = arith.constant 16 : i32
      %mul3A_662 = vector.broadcast %mul3A_661 : i32 to vector<16xi32>
      %mul3A_663 = arith.muli %iota3A, %mul3A_662 : vector<16xi32>
      %add3A_664 = arith.constant 768 : i32
      %add3A_665 = vector.broadcast %add3A_664 : i32 to vector<16xi32>
      %add3A_666 = arith.addi %add3A_665, %mul3A_663 : vector<16xi32>
      %add3A_667 = arith.constant 5 : i32
      %add3A_668 = vector.broadcast %add3A_667 : i32 to vector<16xi32>
      %add3A_669 = arith.addi %add3A_666, %add3A_668 : vector<16xi32>
      %gather3A_670 = tpu.vector_load_idx %arg12[%add3A_669] : memref<1280xf32, #tpu.memory_space<vmem>>[vector<16xi32>], vector<16xf32>,
      %add3A_671 = arith.addf %add3A_660, %gather3A_670 : vector<16xf32>
      %mul3A_672 = arith.constant 16 : i32
      %mul3A_673 = vector.broadcast %mul3A_672 : i32 to vector<16xi32>
      %mul3A_674 = arith.muli %iota3A, %mul3A_673 : vector<16xi32>
      %add3A_675 = arith.constant 768 : i32
      %add3A_676 = vector.broadcast %add3A_675 : i32 to vector<16xi32>
      %add3A_677 = arith.addi %add3A_676, %mul3A_674 : vector<16xi32>
      %add3A_678 = arith.constant 6 : i32
      %add3A_679 = vector.broadcast %add3A_678 : i32 to vector<16xi32>
      %add3A_680 = arith.addi %add3A_677, %add3A_679 : vector<16xi32>
      %gather3A_681 = tpu.vector_load_idx %arg12[%add3A_680] : memref<1280xf32, #tpu.memory_space<vmem>>[vector<16xi32>], vector<16xf32>,
      %add3A_682 = arith.addf %add3A_671, %gather3A_681 : vector<16xf32>
      %mul3A_683 = arith.constant 16 : i32
      %mul3A_684 = vector.broadcast %mul3A_683 : i32 to vector<16xi32>
      %mul3A_685 = arith.muli %iota3A, %mul3A_684 : vector<16xi32>
      %add3A_686 = arith.constant 768 : i32
      %add3A_687 = vector.broadcast %add3A_686 : i32 to vector<16xi32>
      %add3A_688 = arith.addi %add3A_687, %mul3A_685 : vector<16xi32>
      %add3A_689 = arith.constant 7 : i32
      %add3A_690 = vector.broadcast %add3A_689 : i32 to vector<16xi32>
      %add3A_691 = arith.addi %add3A_688, %add3A_690 : vector<16xi32>
      %gather3A_692 = tpu.vector_load_idx %arg12[%add3A_691] : memref<1280xf32, #tpu.memory_space<vmem>>[vector<16xi32>], vector<16xf32>,
      %add3A_693 = arith.addf %add3A_682, %gather3A_692 : vector<16xf32>
      %mul3A_694 = arith.constant 16 : i32
      %mul3A_695 = vector.broadcast %mul3A_694 : i32 to vector<16xi32>
      %mul3A_696 = arith.muli %iota3A, %mul3A_695 : vector<16xi32>
      %add3A_697 = arith.constant 768 : i32
      %add3A_698 = vector.broadcast %add3A_697 : i32 to vector<16xi32>
      %add3A_699 = arith.addi %add3A_698, %mul3A_696 : vector<16xi32>
      %add3A_700 = arith.constant 8 : i32
      %add3A_701 = vector.broadcast %add3A_700 : i32 to vector<16xi32>
      %add3A_702 = arith.addi %add3A_699, %add3A_701 : vector<16xi32>
      %gather3A_703 = tpu.vector_load_idx %arg12[%add3A_702] : memref<1280xf32, #tpu.memory_space<vmem>>[vector<16xi32>], vector<16xf32>,
      %add3A_704 = arith.addf %add3A_693, %gather3A_703 : vector<16xf32>
      %mul3A_705 = arith.constant 16 : i32
      %mul3A_706 = vector.broadcast %mul3A_705 : i32 to vector<16xi32>
      %mul3A_707 = arith.muli %iota3A, %mul3A_706 : vector<16xi32>
      %add3A_708 = arith.constant 768 : i32
      %add3A_709 = vector.broadcast %add3A_708 : i32 to vector<16xi32>
      %add3A_710 = arith.addi %add3A_709, %mul3A_707 : vector<16xi32>
      %add3A_711 = arith.constant 9 : i32
      %add3A_712 = vector.broadcast %add3A_711 : i32 to vector<16xi32>
      %add3A_713 = arith.addi %add3A_710, %add3A_712 : vector<16xi32>
      %gather3A_714 = tpu.vector_load_idx %arg12[%add3A_713] : memref<1280xf32, #tpu.memory_space<vmem>>[vector<16xi32>], vector<16xf32>,
      %add3A_715 = arith.addf %add3A_704, %gather3A_714 : vector<16xf32>
      %mul3A_716 = arith.constant 16 : i32
      %mul3A_717 = vector.broadcast %mul3A_716 : i32 to vector<16xi32>
      %mul3A_718 = arith.muli %iota3A, %mul3A_717 : vector<16xi32>
      %add3A_719 = arith.constant 768 : i32
      %add3A_720 = vector.broadcast %add3A_719 : i32 to vector<16xi32>
      %add3A_721 = arith.addi %add3A_720, %mul3A_718 : vector<16xi32>
      %add3A_722 = arith.constant 10 : i32
      %add3A_723 = vector.broadcast %add3A_722 : i32 to vector<16xi32>
      %add3A_724 = arith.addi %add3A_721, %add3A_723 : vector<16xi32>
      %gather3A_725 = tpu.vector_load_idx %arg12[%add3A_724] : memref<1280xf32, #tpu.memory_space<vmem>>[vector<16xi32>], vector<16xf32>,
      %add3A_726 = arith.addf %add3A_715, %gather3A_725 : vector<16xf32>
      %mul3A_727 = arith.constant 16 : i32
      %mul3A_728 = vector.broadcast %mul3A_727 : i32 to vector<16xi32>
      %mul3A_729 = arith.muli %iota3A, %mul3A_728 : vector<16xi32>
      %add3A_730 = arith.constant 768 : i32
      %add3A_731 = vector.broadcast %add3A_730 : i32 to vector<16xi32>
      %add3A_732 = arith.addi %add3A_731, %mul3A_729 : vector<16xi32>
      %add3A_733 = arith.constant 11 : i32
      %add3A_734 = vector.broadcast %add3A_733 : i32 to vector<16xi32>
      %add3A_735 = arith.addi %add3A_732, %add3A_734 : vector<16xi32>
      %gather3A_736 = tpu.vector_load_idx %arg12[%add3A_735] : memref<1280xf32, #tpu.memory_space<vmem>>[vector<16xi32>], vector<16xf32>,
      %add3A_737 = arith.addf %add3A_726, %gather3A_736 : vector<16xf32>
      %mul3A_738 = arith.constant 16 : i32
      %mul3A_739 = vector.broadcast %mul3A_738 : i32 to vector<16xi32>
      %mul3A_740 = arith.muli %iota3A, %mul3A_739 : vector<16xi32>
      %add3A_741 = arith.constant 768 : i32
      %add3A_742 = vector.broadcast %add3A_741 : i32 to vector<16xi32>
      %add3A_743 = arith.addi %add3A_742, %mul3A_740 : vector<16xi32>
      %add3A_744 = arith.constant 12 : i32
      %add3A_745 = vector.broadcast %add3A_744 : i32 to vector<16xi32>
      %add3A_746 = arith.addi %add3A_743, %add3A_745 : vector<16xi32>
      %gather3A_747 = tpu.vector_load_idx %arg12[%add3A_746] : memref<1280xf32, #tpu.memory_space<vmem>>[vector<16xi32>], vector<16xf32>,
      %add3A_748 = arith.addf %add3A_737, %gather3A_747 : vector<16xf32>
      %mul3A_749 = arith.constant 16 : i32
      %mul3A_750 = vector.broadcast %mul3A_749 : i32 to vector<16xi32>
      %mul3A_751 = arith.muli %iota3A, %mul3A_750 : vector<16xi32>
      %add3A_752 = arith.constant 768 : i32
      %add3A_753 = vector.broadcast %add3A_752 : i32 to vector<16xi32>
      %add3A_754 = arith.addi %add3A_753, %mul3A_751 : vector<16xi32>
      %add3A_755 = arith.constant 13 : i32
      %add3A_756 = vector.broadcast %add3A_755 : i32 to vector<16xi32>
      %add3A_757 = arith.addi %add3A_754, %add3A_756 : vector<16xi32>
      %gather3A_758 = tpu.vector_load_idx %arg12[%add3A_757] : memref<1280xf32, #tpu.memory_space<vmem>>[vector<16xi32>], vector<16xf32>,
      %add3A_759 = arith.addf %add3A_748, %gather3A_758 : vector<16xf32>
      %mul3A_760 = arith.constant 16 : i32
      %mul3A_761 = vector.broadcast %mul3A_760 : i32 to vector<16xi32>
      %mul3A_762 = arith.muli %iota3A, %mul3A_761 : vector<16xi32>
      %add3A_763 = arith.constant 768 : i32
      %add3A_764 = vector.broadcast %add3A_763 : i32 to vector<16xi32>
      %add3A_765 = arith.addi %add3A_764, %mul3A_762 : vector<16xi32>
      %add3A_766 = arith.constant 14 : i32
      %add3A_767 = vector.broadcast %add3A_766 : i32 to vector<16xi32>
      %add3A_768 = arith.addi %add3A_765, %add3A_767 : vector<16xi32>
      %gather3A_769 = tpu.vector_load_idx %arg12[%add3A_768] : memref<1280xf32, #tpu.memory_space<vmem>>[vector<16xi32>], vector<16xf32>,
      %add3A_770 = arith.addf %add3A_759, %gather3A_769 : vector<16xf32>
      %mul3A_771 = arith.constant 16 : i32
      %mul3A_772 = vector.broadcast %mul3A_771 : i32 to vector<16xi32>
      %mul3A_773 = arith.muli %iota3A, %mul3A_772 : vector<16xi32>
      %add3A_774 = arith.constant 768 : i32
      %add3A_775 = vector.broadcast %add3A_774 : i32 to vector<16xi32>
      %add3A_776 = arith.addi %add3A_775, %mul3A_773 : vector<16xi32>
      %add3A_777 = arith.constant 15 : i32
      %add3A_778 = vector.broadcast %add3A_777 : i32 to vector<16xi32>
      %add3A_779 = arith.addi %add3A_776, %add3A_778 : vector<16xi32>
      %gather3A_780 = tpu.vector_load_idx %arg12[%add3A_779] : memref<1280xf32, #tpu.memory_space<vmem>>[vector<16xi32>], vector<16xf32>,
      %add3A_781 = arith.addf %add3A_770, %gather3A_780 : vector<16xf32>
      %min3A_782 = arith.constant 7.000000e+01 : f32
      %min3A_783 = vector.broadcast %min3A_782 : f32 to vector<16xf32>
      %min3A_784 = arith.minimumf %add3A_781, %min3A_783 : vector<16xf32>
      %exp3A_785 = math.exp %min3A_784 : vector<16xf32>
      %swap3A_786 = arith.constant 48 : index
      %swap3A_787 = tpu.vector_load %arg13[%swap3A_786] {strides = array<i32>} : memref<80xf32, #tpu.memory_space<vmem>>, vector<16xf32>,
      tpu.vector_store %arg13[%swap3A_786], %exp3A_785 {strides = array<i32>} : memref<80xf32, #tpu.memory_space<vmem>>, vector<16xf32>,
      %mul3A_788 = arith.constant 16 : i32
      %mul3A_789 = vector.broadcast %mul3A_788 : i32 to vector<16xi32>
      %mul3A_790 = arith.muli %iota3A, %mul3A_789 : vector<16xi32>
      %add3A_791 = arith.constant 1024 : i32
      %add3A_792 = vector.broadcast %add3A_791 : i32 to vector<16xi32>
      %add3A_793 = arith.addi %add3A_792, %mul3A_790 : vector<16xi32>
      %gather3A_794 = tpu.vector_load_idx %arg12[%add3A_793] : memref<1280xf32, #tpu.memory_space<vmem>>[vector<16xi32>], vector<16xf32>,
      %mul3A_795 = arith.constant 16 : i32
      %mul3A_796 = vector.broadcast %mul3A_795 : i32 to vector<16xi32>
      %mul3A_797 = arith.muli %iota3A, %mul3A_796 : vector<16xi32>
      %add3A_798 = arith.constant 1024 : i32
      %add3A_799 = vector.broadcast %add3A_798 : i32 to vector<16xi32>
      %add3A_800 = arith.addi %add3A_799, %mul3A_797 : vector<16xi32>
      %add3A_801 = arith.constant 1 : i32
      %add3A_802 = vector.broadcast %add3A_801 : i32 to vector<16xi32>
      %add3A_803 = arith.addi %add3A_800, %add3A_802 : vector<16xi32>
      %gather3A_804 = tpu.vector_load_idx %arg12[%add3A_803] : memref<1280xf32, #tpu.memory_space<vmem>>[vector<16xi32>], vector<16xf32>,
      %add3A_805 = arith.addf %gather3A_794, %gather3A_804 : vector<16xf32>
      %mul3A_806 = arith.constant 16 : i32
      %mul3A_807 = vector.broadcast %mul3A_806 : i32 to vector<16xi32>
      %mul3A_808 = arith.muli %iota3A, %mul3A_807 : vector<16xi32>
      %add3A_809 = arith.constant 1024 : i32
      %add3A_810 = vector.broadcast %add3A_809 : i32 to vector<16xi32>
      %add3A_811 = arith.addi %add3A_810, %mul3A_808 : vector<16xi32>
      %add3A_812 = arith.constant 2 : i32
      %add3A_813 = vector.broadcast %add3A_812 : i32 to vector<16xi32>
      %add3A_814 = arith.addi %add3A_811, %add3A_813 : vector<16xi32>
      %gather3A_815 = tpu.vector_load_idx %arg12[%add3A_814] : memref<1280xf32, #tpu.memory_space<vmem>>[vector<16xi32>], vector<16xf32>,
      %add3A_816 = arith.addf %add3A_805, %gather3A_815 : vector<16xf32>
      %mul3A_817 = arith.constant 16 : i32
      %mul3A_818 = vector.broadcast %mul3A_817 : i32 to vector<16xi32>
      %mul3A_819 = arith.muli %iota3A, %mul3A_818 : vector<16xi32>
      %add3A_820 = arith.constant 1024 : i32
      %add3A_821 = vector.broadcast %add3A_820 : i32 to vector<16xi32>
      %add3A_822 = arith.addi %add3A_821, %mul3A_819 : vector<16xi32>
      %add3A_823 = arith.constant 3 : i32
      %add3A_824 = vector.broadcast %add3A_823 : i32 to vector<16xi32>
      %add3A_825 = arith.addi %add3A_822, %add3A_824 : vector<16xi32>
      %gather3A_826 = tpu.vector_load_idx %arg12[%add3A_825] : memref<1280xf32, #tpu.memory_space<vmem>>[vector<16xi32>], vector<16xf32>,
      %add3A_827 = arith.addf %add3A_816, %gather3A_826 : vector<16xf32>
      %mul3A_828 = arith.constant 16 : i32
      %mul3A_829 = vector.broadcast %mul3A_828 : i32 to vector<16xi32>
      %mul3A_830 = arith.muli %iota3A, %mul3A_829 : vector<16xi32>
      %add3A_831 = arith.constant 1024 : i32
      %add3A_832 = vector.broadcast %add3A_831 : i32 to vector<16xi32>
      %add3A_833 = arith.addi %add3A_832, %mul3A_830 : vector<16xi32>
      %add3A_834 = arith.constant 4 : i32
      %add3A_835 = vector.broadcast %add3A_834 : i32 to vector<16xi32>
      %add3A_836 = arith.addi %add3A_833, %add3A_835 : vector<16xi32>
      %gather3A_837 = tpu.vector_load_idx %arg12[%add3A_836] : memref<1280xf32, #tpu.memory_space<vmem>>[vector<16xi32>], vector<16xf32>,
      %add3A_838 = arith.addf %add3A_827, %gather3A_837 : vector<16xf32>
      %mul3A_839 = arith.constant 16 : i32
      %mul3A_840 = vector.broadcast %mul3A_839 : i32 to vector<16xi32>
      %mul3A_841 = arith.muli %iota3A, %mul3A_840 : vector<16xi32>
      %add3A_842 = arith.constant 1024 : i32
      %add3A_843 = vector.broadcast %add3A_842 : i32 to vector<16xi32>
      %add3A_844 = arith.addi %add3A_843, %mul3A_841 : vector<16xi32>
      %add3A_845 = arith.constant 5 : i32
      %add3A_846 = vector.broadcast %add3A_845 : i32 to vector<16xi32>
      %add3A_847 = arith.addi %add3A_844, %add3A_846 : vector<16xi32>
      %gather3A_848 = tpu.vector_load_idx %arg12[%add3A_847] : memref<1280xf32, #tpu.memory_space<vmem>>[vector<16xi32>], vector<16xf32>,
      %add3A_849 = arith.addf %add3A_838, %gather3A_848 : vector<16xf32>
      %mul3A_850 = arith.constant 16 : i32
      %mul3A_851 = vector.broadcast %mul3A_850 : i32 to vector<16xi32>
      %mul3A_852 = arith.muli %iota3A, %mul3A_851 : vector<16xi32>
      %add3A_853 = arith.constant 1024 : i32
      %add3A_854 = vector.broadcast %add3A_853 : i32 to vector<16xi32>
      %add3A_855 = arith.addi %add3A_854, %mul3A_852 : vector<16xi32>
      %add3A_856 = arith.constant 6 : i32
      %add3A_857 = vector.broadcast %add3A_856 : i32 to vector<16xi32>
      %add3A_858 = arith.addi %add3A_855, %add3A_857 : vector<16xi32>
      %gather3A_859 = tpu.vector_load_idx %arg12[%add3A_858] : memref<1280xf32, #tpu.memory_space<vmem>>[vector<16xi32>], vector<16xf32>,
      %add3A_860 = arith.addf %add3A_849, %gather3A_859 : vector<16xf32>
      %mul3A_861 = arith.constant 16 : i32
      %mul3A_862 = vector.broadcast %mul3A_861 : i32 to vector<16xi32>
      %mul3A_863 = arith.muli %iota3A, %mul3A_862 : vector<16xi32>
      %add3A_864 = arith.constant 1024 : i32
      %add3A_865 = vector.broadcast %add3A_864 : i32 to vector<16xi32>
      %add3A_866 = arith.addi %add3A_865, %mul3A_863 : vector<16xi32>
      %add3A_867 = arith.constant 7 : i32
      %add3A_868 = vector.broadcast %add3A_867 : i32 to vector<16xi32>
      %add3A_869 = arith.addi %add3A_866, %add3A_868 : vector<16xi32>
      %gather3A_870 = tpu.vector_load_idx %arg12[%add3A_869] : memref<1280xf32, #tpu.memory_space<vmem>>[vector<16xi32>], vector<16xf32>,
      %add3A_871 = arith.addf %add3A_860, %gather3A_870 : vector<16xf32>
      %mul3A_872 = arith.constant 16 : i32
      %mul3A_873 = vector.broadcast %mul3A_872 : i32 to vector<16xi32>
      %mul3A_874 = arith.muli %iota3A, %mul3A_873 : vector<16xi32>
      %add3A_875 = arith.constant 1024 : i32
      %add3A_876 = vector.broadcast %add3A_875 : i32 to vector<16xi32>
      %add3A_877 = arith.addi %add3A_876, %mul3A_874 : vector<16xi32>
      %add3A_878 = arith.constant 8 : i32
      %add3A_879 = vector.broadcast %add3A_878 : i32 to vector<16xi32>
      %add3A_880 = arith.addi %add3A_877, %add3A_879 : vector<16xi32>
      %gather3A_881 = tpu.vector_load_idx %arg12[%add3A_880] : memref<1280xf32, #tpu.memory_space<vmem>>[vector<16xi32>], vector<16xf32>,
      %add3A_882 = arith.addf %add3A_871, %gather3A_881 : vector<16xf32>
      %mul3A_883 = arith.constant 16 : i32
      %mul3A_884 = vector.broadcast %mul3A_883 : i32 to vector<16xi32>
      %mul3A_885 = arith.muli %iota3A, %mul3A_884 : vector<16xi32>
      %add3A_886 = arith.constant 1024 : i32
      %add3A_887 = vector.broadcast %add3A_886 : i32 to vector<16xi32>
      %add3A_888 = arith.addi %add3A_887, %mul3A_885 : vector<16xi32>
      %add3A_889 = arith.constant 9 : i32
      %add3A_890 = vector.broadcast %add3A_889 : i32 to vector<16xi32>
      %add3A_891 = arith.addi %add3A_888, %add3A_890 : vector<16xi32>
      %gather3A_892 = tpu.vector_load_idx %arg12[%add3A_891] : memref<1280xf32, #tpu.memory_space<vmem>>[vector<16xi32>], vector<16xf32>,
      %add3A_893 = arith.addf %add3A_882, %gather3A_892 : vector<16xf32>
      %mul3A_894 = arith.constant 16 : i32
      %mul3A_895 = vector.broadcast %mul3A_894 : i32 to vector<16xi32>
      %mul3A_896 = arith.muli %iota3A, %mul3A_895 : vector<16xi32>
      %add3A_897 = arith.constant 1024 : i32
      %add3A_898 = vector.broadcast %add3A_897 : i32 to vector<16xi32>
      %add3A_899 = arith.addi %add3A_898, %mul3A_896 : vector<16xi32>
      %add3A_900 = arith.constant 10 : i32
      %add3A_901 = vector.broadcast %add3A_900 : i32 to vector<16xi32>
      %add3A_902 = arith.addi %add3A_899, %add3A_901 : vector<16xi32>
      %gather3A_903 = tpu.vector_load_idx %arg12[%add3A_902] : memref<1280xf32, #tpu.memory_space<vmem>>[vector<16xi32>], vector<16xf32>,
      %add3A_904 = arith.addf %add3A_893, %gather3A_903 : vector<16xf32>
      %mul3A_905 = arith.constant 16 : i32
      %mul3A_906 = vector.broadcast %mul3A_905 : i32 to vector<16xi32>
      %mul3A_907 = arith.muli %iota3A, %mul3A_906 : vector<16xi32>
      %add3A_908 = arith.constant 1024 : i32
      %add3A_909 = vector.broadcast %add3A_908 : i32 to vector<16xi32>
      %add3A_910 = arith.addi %add3A_909, %mul3A_907 : vector<16xi32>
      %add3A_911 = arith.constant 11 : i32
      %add3A_912 = vector.broadcast %add3A_911 : i32 to vector<16xi32>
      %add3A_913 = arith.addi %add3A_910, %add3A_912 : vector<16xi32>
      %gather3A_914 = tpu.vector_load_idx %arg12[%add3A_913] : memref<1280xf32, #tpu.memory_space<vmem>>[vector<16xi32>], vector<16xf32>,
      %add3A_915 = arith.addf %add3A_904, %gather3A_914 : vector<16xf32>
      %mul3A_916 = arith.constant 16 : i32
      %mul3A_917 = vector.broadcast %mul3A_916 : i32 to vector<16xi32>
      %mul3A_918 = arith.muli %iota3A, %mul3A_917 : vector<16xi32>
      %add3A_919 = arith.constant 1024 : i32
      %add3A_920 = vector.broadcast %add3A_919 : i32 to vector<16xi32>
      %add3A_921 = arith.addi %add3A_920, %mul3A_918 : vector<16xi32>
      %add3A_922 = arith.constant 12 : i32
      %add3A_923 = vector.broadcast %add3A_922 : i32 to vector<16xi32>
      %add3A_924 = arith.addi %add3A_921, %add3A_923 : vector<16xi32>
      %gather3A_925 = tpu.vector_load_idx %arg12[%add3A_924] : memref<1280xf32, #tpu.memory_space<vmem>>[vector<16xi32>], vector<16xf32>,
      %add3A_926 = arith.addf %add3A_915, %gather3A_925 : vector<16xf32>
      %mul3A_927 = arith.constant 16 : i32
      %mul3A_928 = vector.broadcast %mul3A_927 : i32 to vector<16xi32>
      %mul3A_929 = arith.muli %iota3A, %mul3A_928 : vector<16xi32>
      %add3A_930 = arith.constant 1024 : i32
      %add3A_931 = vector.broadcast %add3A_930 : i32 to vector<16xi32>
      %add3A_932 = arith.addi %add3A_931, %mul3A_929 : vector<16xi32>
      %add3A_933 = arith.constant 13 : i32
      %add3A_934 = vector.broadcast %add3A_933 : i32 to vector<16xi32>
      %add3A_935 = arith.addi %add3A_932, %add3A_934 : vector<16xi32>
      %gather3A_936 = tpu.vector_load_idx %arg12[%add3A_935] : memref<1280xf32, #tpu.memory_space<vmem>>[vector<16xi32>], vector<16xf32>,
      %add3A_937 = arith.addf %add3A_926, %gather3A_936 : vector<16xf32>
      %mul3A_938 = arith.constant 16 : i32
      %mul3A_939 = vector.broadcast %mul3A_938 : i32 to vector<16xi32>
      %mul3A_940 = arith.muli %iota3A, %mul3A_939 : vector<16xi32>
      %add3A_941 = arith.constant 1024 : i32
      %add3A_942 = vector.broadcast %add3A_941 : i32 to vector<16xi32>
      %add3A_943 = arith.addi %add3A_942, %mul3A_940 : vector<16xi32>
      %add3A_944 = arith.constant 14 : i32
      %add3A_945 = vector.broadcast %add3A_944 : i32 to vector<16xi32>
      %add3A_946 = arith.addi %add3A_943, %add3A_945 : vector<16xi32>
      %gather3A_947 = tpu.vector_load_idx %arg12[%add3A_946] : memref<1280xf32, #tpu.memory_space<vmem>>[vector<16xi32>], vector<16xf32>,
      %add3A_948 = arith.addf %add3A_937, %gather3A_947 : vector<16xf32>
      %mul3A_949 = arith.constant 16 : i32
      %mul3A_950 = vector.broadcast %mul3A_949 : i32 to vector<16xi32>
      %mul3A_951 = arith.muli %iota3A, %mul3A_950 : vector<16xi32>
      %add3A_952 = arith.constant 1024 : i32
      %add3A_953 = vector.broadcast %add3A_952 : i32 to vector<16xi32>
      %add3A_954 = arith.addi %add3A_953, %mul3A_951 : vector<16xi32>
      %add3A_955 = arith.constant 15 : i32
      %add3A_956 = vector.broadcast %add3A_955 : i32 to vector<16xi32>
      %add3A_957 = arith.addi %add3A_954, %add3A_956 : vector<16xi32>
      %gather3A_958 = tpu.vector_load_idx %arg12[%add3A_957] : memref<1280xf32, #tpu.memory_space<vmem>>[vector<16xi32>], vector<16xf32>,
      %add3A_959 = arith.addf %add3A_948, %gather3A_958 : vector<16xf32>
      %min3A_960 = arith.constant 7.000000e+01 : f32
      %min3A_961 = vector.broadcast %min3A_960 : f32 to vector<16xf32>
      %min3A_962 = arith.minimumf %add3A_959, %min3A_961 : vector<16xf32>
      %exp3A_963 = math.exp %min3A_962 : vector<16xf32>
      %swap3A_964 = arith.constant 64 : index
      %swap3A_965 = tpu.vector_load %arg13[%swap3A_964] {strides = array<i32>} : memref<80xf32, #tpu.memory_space<vmem>>, vector<16xf32>,
      tpu.vector_store %arg13[%swap3A_964], %exp3A_963 {strides = array<i32>} : memref<80xf32, #tpu.memory_space<vmem>>, vector<16xf32>,
      %dma_wait3A_966 = arith.constant 0 : i32
      %dma_wait3A_967 = arith.constant 0 : i32
      %dma_wait3A_968 = tpu.memref_slice %arg4[%dma_wait3A_966, %dma_wait3A_967] : memref<10000x128xf32, #tpu.memory_space<hbm>> -> memref<10000x128xf32, #tpu.memory_space<hbm>>
      tpu.wait_indirect_dma semaphore(%arg14 : memref<!tpu.dma_semaphore, #tpu.memory_space<semaphore_mem>>) src(%dma_wait3A_968 : memref<10000x128xf32, #tpu.memory_space<hbm>>) dst(%arg10 : memref<80x128xf32, #tpu.memory_space<vmem>>)
      %scan3A_969 = arith.constant 0 : i32
      %scan3A_970 = arith.constant 0 : i32
      %scan3A_971 = arith.constant 80 : i32
      %scan3A_972 = arith.addi %scan3A_970, %scan3A_971 : i32
      %scan3A_973 = arith.constant 1 : i32
      %scan3A_974 = scf.for %scan3A_977 = %scan3A_970 to %scan3A_972 step %scan3A_973 iter_args(%scan3A_978 = %scan3A_969) -> (i32)  : i32 {
        %broadcast_in_dim3A_979 = vector.broadcast %scan3A_977 : i32 to vector<16xi32>
        %gather3A_980 = tpu.vector_load_idx %arg13[%broadcast_in_dim3A_979] : memref<80xf32, #tpu.memory_space<vmem>>[vector<16xi32>], vector<16xf32>,
        %get3A = arith.index_cast %scan3A_977 : i32 to index
        %get3A_981 = arith.constant 0 : index
        %get3A_982 = tpu.vector_load %arg10[%get3A, %get3A_981] {strides = array<i32>} : memref<80x128xf32, #tpu.memory_space<vmem>>, vector<16xf32>,
        %mul3A_983 = arith.mulf %get3A_982, %gather3A_980 : vector<16xf32>
        %swap3A_984 = arith.index_cast %scan3A_977 : i32 to index
        %swap3A_985 = arith.constant 0 : index
        %swap3A_986 = tpu.vector_load %arg11[%swap3A_984, %swap3A_985] {strides = array<i32>} : memref<80x144xf32, #tpu.memory_space<vmem>>, vector<16xf32>,
        tpu.vector_store %arg11[%swap3A_984, %swap3A_985], %mul3A_983 {strides = array<i32>} : memref<80x144xf32, #tpu.memory_space<vmem>>, vector<16xf32>,
        %get3A_987 = arith.index_cast %scan3A_977 : i32 to index
        %get3A_988 = arith.constant 16 : index
        %get3A_989 = tpu.vector_load %arg10[%get3A_987, %get3A_988] {strides = array<i32>} : memref<80x128xf32, #tpu.memory_space<vmem>>, vector<16xf32>,
        %mul3A_990 = arith.mulf %get3A_989, %gather3A_980 : vector<16xf32>
        %swap3A_991 = arith.index_cast %scan3A_977 : i32 to index
        %swap3A_992 = arith.constant 16 : index
        %swap3A_993 = tpu.vector_load %arg11[%swap3A_991, %swap3A_992] {strides = array<i32>} : memref<80x144xf32, #tpu.memory_space<vmem>>, vector<16xf32>,
        tpu.vector_store %arg11[%swap3A_991, %swap3A_992], %mul3A_990 {strides = array<i32>} : memref<80x144xf32, #tpu.memory_space<vmem>>, vector<16xf32>,
        %get3A_994 = arith.index_cast %scan3A_977 : i32 to index
        %get3A_995 = arith.constant 32 : index
        %get3A_996 = tpu.vector_load %arg10[%get3A_994, %get3A_995] {strides = array<i32>} : memref<80x128xf32, #tpu.memory_space<vmem>>, vector<16xf32>,
        %mul3A_997 = arith.mulf %get3A_996, %gather3A_980 : vector<16xf32>
        %swap3A_998 = arith.index_cast %scan3A_977 : i32 to index
        %swap3A_999 = arith.constant 32 : index
        %swap3A_1000 = tpu.vector_load %arg11[%swap3A_998, %swap3A_999] {strides = array<i32>} : memref<80x144xf32, #tpu.memory_space<vmem>>, vector<16xf32>,
        tpu.vector_store %arg11[%swap3A_998, %swap3A_999], %mul3A_997 {strides = array<i32>} : memref<80x144xf32, #tpu.memory_space<vmem>>, vector<16xf32>,
        %get3A_1001 = arith.index_cast %scan3A_977 : i32 to index
        %get3A_1002 = arith.constant 48 : index
        %get3A_1003 = tpu.vector_load %arg10[%get3A_1001, %get3A_1002] {strides = array<i32>} : memref<80x128xf32, #tpu.memory_space<vmem>>, vector<16xf32>,
        %mul3A_1004 = arith.mulf %get3A_1003, %gather3A_980 : vector<16xf32>
        %swap3A_1005 = arith.index_cast %scan3A_977 : i32 to index
        %swap3A_1006 = arith.constant 48 : index
        %swap3A_1007 = tpu.vector_load %arg11[%swap3A_1005, %swap3A_1006] {strides = array<i32>} : memref<80x144xf32, #tpu.memory_space<vmem>>, vector<16xf32>,
        tpu.vector_store %arg11[%swap3A_1005, %swap3A_1006], %mul3A_1004 {strides = array<i32>} : memref<80x144xf32, #tpu.memory_space<vmem>>, vector<16xf32>,
        %get3A_1008 = arith.index_cast %scan3A_977 : i32 to index
        %get3A_1009 = arith.constant 64 : index
        %get3A_1010 = tpu.vector_load %arg10[%get3A_1008, %get3A_1009] {strides = array<i32>} : memref<80x128xf32, #tpu.memory_space<vmem>>, vector<16xf32>,
        %mul3A_1011 = arith.mulf %get3A_1010, %gather3A_980 : vector<16xf32>
        %swap3A_1012 = arith.index_cast %scan3A_977 : i32 to index
        %swap3A_1013 = arith.constant 64 : index
        %swap3A_1014 = tpu.vector_load %arg11[%swap3A_1012, %swap3A_1013] {strides = array<i32>} : memref<80x144xf32, #tpu.memory_space<vmem>>, vector<16xf32>,
        tpu.vector_store %arg11[%swap3A_1012, %swap3A_1013], %mul3A_1011 {strides = array<i32>} : memref<80x144xf32, #tpu.memory_space<vmem>>, vector<16xf32>,
        %get3A_1015 = arith.index_cast %scan3A_977 : i32 to index
        %get3A_1016 = arith.constant 80 : index
        %get3A_1017 = tpu.vector_load %arg10[%get3A_1015, %get3A_1016] {strides = array<i32>} : memref<80x128xf32, #tpu.memory_space<vmem>>, vector<16xf32>,
        %mul3A_1018 = arith.mulf %get3A_1017, %gather3A_980 : vector<16xf32>
        %swap3A_1019 = arith.index_cast %scan3A_977 : i32 to index
        %swap3A_1020 = arith.constant 80 : index
        %swap3A_1021 = tpu.vector_load %arg11[%swap3A_1019, %swap3A_1020] {strides = array<i32>} : memref<80x144xf32, #tpu.memory_space<vmem>>, vector<16xf32>,
        tpu.vector_store %arg11[%swap3A_1019, %swap3A_1020], %mul3A_1018 {strides = array<i32>} : memref<80x144xf32, #tpu.memory_space<vmem>>, vector<16xf32>,
        %get3A_1022 = arith.index_cast %scan3A_977 : i32 to index
        %get3A_1023 = arith.constant 96 : index
        %get3A_1024 = tpu.vector_load %arg10[%get3A_1022, %get3A_1023] {strides = array<i32>} : memref<80x128xf32, #tpu.memory_space<vmem>>, vector<16xf32>,
        %mul3A_1025 = arith.mulf %get3A_1024, %gather3A_980 : vector<16xf32>
        %swap3A_1026 = arith.index_cast %scan3A_977 : i32 to index
        %swap3A_1027 = arith.constant 96 : index
        %swap3A_1028 = tpu.vector_load %arg11[%swap3A_1026, %swap3A_1027] {strides = array<i32>} : memref<80x144xf32, #tpu.memory_space<vmem>>, vector<16xf32>,
        tpu.vector_store %arg11[%swap3A_1026, %swap3A_1027], %mul3A_1025 {strides = array<i32>} : memref<80x144xf32, #tpu.memory_space<vmem>>, vector<16xf32>,
        %get3A_1029 = arith.index_cast %scan3A_977 : i32 to index
        %get3A_1030 = arith.constant 112 : index
        %get3A_1031 = tpu.vector_load %arg10[%get3A_1029, %get3A_1030] {strides = array<i32>} : memref<80x128xf32, #tpu.memory_space<vmem>>, vector<16xf32>,
        %mul3A_1032 = arith.mulf %get3A_1031, %gather3A_980 : vector<16xf32>
        %swap3A_1033 = arith.index_cast %scan3A_977 : i32 to index
        %swap3A_1034 = arith.constant 112 : index
        %swap3A_1035 = tpu.vector_load %arg11[%swap3A_1033, %swap3A_1034] {strides = array<i32>} : memref<80x144xf32, #tpu.memory_space<vmem>>, vector<16xf32>,
        tpu.vector_store %arg11[%swap3A_1033, %swap3A_1034], %mul3A_1032 {strides = array<i32>} : memref<80x144xf32, #tpu.memory_space<vmem>>, vector<16xf32>,
        %eq3A = arith.constant 0 : i32
        %eq3A_1036 = vector.broadcast %eq3A : i32 to vector<16xi32>
        %eq3A_1037 = arith.cmpi eq, %iota3A, %eq3A_1036 : vector<16xi32>
        %jit3A = arith.constant 0.000000e+00 : f32
        %broadcast_in_dim3A_1038 = vector.broadcast %jit3A : f32 to vector<16xf32>
        %select_n3A = arith.select %eq3A_1037, %gather3A_980, %broadcast_in_dim3A_1038 : vector<16xi1>, vector<16xf32>
        %swap3A_1039 = arith.index_cast %scan3A_977 : i32 to index
        %swap3A_1040 = arith.constant 128 : index
        %swap3A_1041 = tpu.vector_load %arg11[%swap3A_1039, %swap3A_1040] {strides = array<i32>} : memref<80x144xf32, #tpu.memory_space<vmem>>, vector<16xf32>,
        tpu.vector_store %arg11[%swap3A_1039, %swap3A_1040], %select_n3A {strides = array<i32>} : memref<80x144xf32, #tpu.memory_space<vmem>>, vector<16xf32>,
        %scan3A_1042 = arith.constant 0 : i32
        scf.yield %scan3A_1042 : i32
      }
      %scan3A_975 = arith.constant 80 : i32
      "tpu.region"() ({
        %run_scoped3A_977 = tpu.sem_alloc : memref<!tpu.dma_semaphore, #tpu.memory_space<semaphore_mem>>
        %dma_start3A_978 = arith.constant 0 : i32
        %dma_start3A_979 = arith.constant 0 : i32
        %dma_start3A_980 = tpu.memref_slice %arg15[%dma_start3A_978, %dma_start3A_979] : memref<10000x144xf32, #tpu.memory_space<vmem_shared>> -> memref<10000x144xf32, #tpu.memory_space<vmem_shared>>
        tpu.enqueue_indirect_dma source(%arg11 : memref<80x144xf32, #tpu.memory_space<vmem>>) target(%dma_start3A_980 : memref<10000x144xf32, #tpu.memory_space<vmem_shared>>) offsets(%arg7 : memref<80xi32, #tpu.memory_space<vmem>>) semaphore(%run_scoped3A_977 : memref<!tpu.dma_semaphore, #tpu.memory_space<semaphore_mem>>) {add = true}
        %dma_wait3A_981 = arith.constant 0 : i32
        %dma_wait3A_982 = arith.constant 0 : i32
        %dma_wait3A_983 = tpu.memref_slice %arg15[%dma_wait3A_981, %dma_wait3A_982] : memref<10000x144xf32, #tpu.memory_space<vmem_shared>> -> memref<10000x144xf32, #tpu.memory_space<vmem_shared>>
        tpu.wait_indirect_dma semaphore(%run_scoped3A_977 : memref<!tpu.dma_semaphore, #tpu.memory_space<semaphore_mem>>) src(%arg11 : memref<80x144xf32, #tpu.memory_space<vmem>>) dst(%dma_wait3A_983 : memref<10000x144xf32, #tpu.memory_space<vmem_shared>>)
        tpu.yield
      }) : () -> ()
      %scan3A_976 = arith.constant 0 : i32
      scf.yield %scan3A_976 : i32
    }
    %scan3A_46 = arith.constant 125 : i32
    %barrier3A_47 = arith.constant 0 : index
    tpu.barrier barrier_id(%barrier3A_47)
    %mul3A_48 = arith.constant 625 : i32
    %mul3A_49 = arith.muli %arg1, %mul3A_48 : i32
    %mul3A_50 = arith.constant 625 : i32
    %mul3A_51 = arith.muli %arg1, %mul3A_50 : i32
    "tpu.region"() ({
      %run_scoped3A = tpu.sem_alloc : memref<!tpu.dma_semaphore, #tpu.memory_space<semaphore_mem>>
      %dma_start3A = arith.constant 0 : i32
      %dma_start3A_52 = tpu.memref_slice %arg6[%arg0, %mul3A_51, %dma_start3A] : memref<2x10000x144xf32, #tpu.memory_space<hbm>> -> memref<1x625x144xf32, #tpu.memory_space<hbm>>
      %dma_start3A_53 = tpu.memref_squeeze %dma_start3A_52 : memref<1x625x144xf32, #tpu.memory_space<hbm>> -> memref<625x144xf32, #tpu.memory_space<hbm>>
      %dma_start3A_54 = arith.constant 0 : i32
      %dma_start3A_55 = tpu.memref_slice %arg15[%mul3A_49, %dma_start3A_54] : memref<10000x144xf32, #tpu.memory_space<vmem_shared>> -> memref<625x144xf32, #tpu.memory_space<vmem_shared>>
      tpu.enqueue_dma source(%dma_start3A_55 : memref<625x144xf32, #tpu.memory_space<vmem_shared>>) target(%dma_start3A_53 : memref<625x144xf32, #tpu.memory_space<hbm>>) target_semaphore(%run_scoped3A : memref<!tpu.dma_semaphore, #tpu.memory_space<semaphore_mem>>)
      %dma_wait3A = arith.constant 0 : i32
      %dma_wait3A_56 = tpu.memref_slice %arg6[%arg0, %mul3A_51, %dma_wait3A] : memref<2x10000x144xf32, #tpu.memory_space<hbm>> -> memref<1x625x144xf32, #tpu.memory_space<hbm>>
      %dma_wait3A_57 = tpu.memref_squeeze %dma_wait3A_56 : memref<1x625x144xf32, #tpu.memory_space<hbm>> -> memref<625x144xf32, #tpu.memory_space<hbm>>
      %dma_wait3A_58 = arith.constant 0 : i32
      %dma_wait3A_59 = tpu.memref_slice %arg15[%mul3A_49, %dma_wait3A_58] : memref<10000x144xf32, #tpu.memory_space<vmem_shared>> -> memref<625x144xf32, #tpu.memory_space<vmem_shared>>
      tpu.wait_dma2 semaphore(%run_scoped3A : memref<!tpu.dma_semaphore, #tpu.memory_space<semaphore_mem>>) src(%dma_wait3A_59 : memref<625x144xf32, #tpu.memory_space<vmem_shared>>) dst(%dma_wait3A_57 : memref<625x144xf32, #tpu.memory_space<hbm>>)
      tpu.yield
    }) : () -> ()
    return
  }
}

module attributes {stable_mosaic.version = 14 : i64} {
  func.func @_qkv_body(%arg0: i32, %arg1: memref<1000x128xf32, #tpu.memory_space<vmem>>, %arg2: memref<128x128xf32, #tpu.memory_space<vmem>>, %arg3: memref<128x128xf32, #tpu.memory_space<vmem>>, %arg4: memref<128x128xf32, #tpu.memory_space<vmem>>, %arg5: memref<1000x128xf32, #tpu.memory_space<vmem>>, %arg6: memref<1000x128xf32, #tpu.memory_space<vmem>>, %arg7: memref<1000x128xf32, #tpu.memory_space<vmem>>) attributes {dimension_semantics = [#tpu.dimension_semantics<arbitrary>], iteration_bounds = array<i64: 10>, scalar_prefetch = 0 : i64, scratch_operands = 0 : i64, tpu.core_type = #tpu.core_type<tc>, window_params = [{transform_indices = @transform_0, window_bounds = array<i64: 1000, 128>}, {pipeline_mode = #tpu.pipeline_mode<synchronous>, transform_indices = @transform_1, window_bounds = array<i64: 128, 128>}, {pipeline_mode = #tpu.pipeline_mode<synchronous>, transform_indices = @transform_2, window_bounds = array<i64: 128, 128>}, {pipeline_mode = #tpu.pipeline_mode<synchronous>, transform_indices = @transform_3, window_bounds = array<i64: 128, 128>}, {transform_indices = @transform_4, window_bounds = array<i64: 1000, 128>}, {transform_indices = @transform_5, window_bounds = array<i64: 1000, 128>}, {transform_indices = @transform_6, window_bounds = array<i64: 1000, 128>}]} {
    %get3A = arith.constant 0 : index
    %get3A_0 = arith.constant 0 : index
    %get3A_1 = vector.load %arg1[%get3A, %get3A_0] : memref<1000x128xf32, #tpu.memory_space<vmem>>, vector<1000x128xf32>
    %get3A_2 = arith.constant 0 : index
    %get3A_3 = arith.constant 0 : index
    %get3A_4 = vector.load %arg2[%get3A_2, %get3A_3] : memref<128x128xf32, #tpu.memory_space<vmem>>, vector<128x128xf32>
    %dot_general3A = arith.constant dense<0.000000e+00> : vector<1000x128xf32>
    %dot_general3A_5 = tpu.matmul %get3A_1, %get3A_4, %dot_general3A {dimension_numbers = #tpu.dot_dimension_numbers<[1], [0], [0], [1], [0, 0, 1, 1], [], []>, transpose_lhs_hint = false} : vector<1000x128xf32>, vector<128x128xf32>, vector<1000x128xf32> -> vector<1000x128xf32>
    %mul3A = arith.constant 0.0883883461 : f32
    %mul3A_6 = vector.broadcast %mul3A : f32 to vector<1000x128xf32>
    %mul3A_7 = arith.mulf %dot_general3A_5, %mul3A_6 : vector<1000x128xf32>
    %swap3A = arith.constant 0 : index
    %swap3A_8 = arith.constant 0 : index
    %swap3A_9 = vector.load %arg5[%swap3A, %swap3A_8] : memref<1000x128xf32, #tpu.memory_space<vmem>>, vector<1000x128xf32>
    tpu.vector_store %arg5[%swap3A, %swap3A_8], %mul3A_7 {strides = array<i32>} : memref<1000x128xf32, #tpu.memory_space<vmem>>, vector<1000x128xf32>,
    %get3A_10 = arith.constant 0 : index
    %get3A_11 = arith.constant 0 : index
    %get3A_12 = vector.load %arg3[%get3A_10, %get3A_11] : memref<128x128xf32, #tpu.memory_space<vmem>>, vector<128x128xf32>
    %dot_general3A_13 = arith.constant dense<0.000000e+00> : vector<1000x128xf32>
    %dot_general3A_14 = tpu.matmul %get3A_1, %get3A_12, %dot_general3A_13 {dimension_numbers = #tpu.dot_dimension_numbers<[1], [0], [0], [1], [0, 0, 1, 1], [], []>, transpose_lhs_hint = false} : vector<1000x128xf32>, vector<128x128xf32>, vector<1000x128xf32> -> vector<1000x128xf32>
    %swap3A_15 = arith.constant 0 : index
    %swap3A_16 = arith.constant 0 : index
    %swap3A_17 = vector.load %arg6[%swap3A_15, %swap3A_16] : memref<1000x128xf32, #tpu.memory_space<vmem>>, vector<1000x128xf32>
    tpu.vector_store %arg6[%swap3A_15, %swap3A_16], %dot_general3A_14 {strides = array<i32>} : memref<1000x128xf32, #tpu.memory_space<vmem>>, vector<1000x128xf32>,
    %get3A_18 = arith.constant 0 : index
    %get3A_19 = arith.constant 0 : index
    %get3A_20 = vector.load %arg4[%get3A_18, %get3A_19] : memref<128x128xf32, #tpu.memory_space<vmem>>, vector<128x128xf32>
    %dot_general3A_21 = arith.constant dense<0.000000e+00> : vector<1000x128xf32>
    %dot_general3A_22 = tpu.matmul %get3A_1, %get3A_20, %dot_general3A_21 {dimension_numbers = #tpu.dot_dimension_numbers<[1], [0], [0], [1], [0, 0, 1, 1], [], []>, transpose_lhs_hint = false} : vector<1000x128xf32>, vector<128x128xf32>, vector<1000x128xf32> -> vector<1000x128xf32>
    %swap3A_23 = arith.constant 0 : index
    %swap3A_24 = arith.constant 0 : index
    %swap3A_25 = vector.load %arg7[%swap3A_23, %swap3A_24] : memref<1000x128xf32, #tpu.memory_space<vmem>>, vector<1000x128xf32>
    tpu.vector_store %arg7[%swap3A_23, %swap3A_24], %dot_general3A_22 {strides = array<i32>} : memref<1000x128xf32, #tpu.memory_space<vmem>>, vector<1000x128xf32>,
    return
  }
  func.func @transform_0(%arg0: i32) -> (i32, i32) {
    %c0_i32 = arith.constant 0 : i32
    %c0_i32_0 = arith.constant 0 : i32
    return %arg0, %c0_i32 : i32, i32
  }
  func.func @transform_1(%arg0: i32) -> (i32, i32) {
    %c0_i32 = arith.constant 0 : i32
    %c0_i32_0 = arith.constant 0 : i32
    %c0_i32_1 = arith.constant 0 : i32
    return %c0_i32, %c0_i32_0 : i32, i32
  }
  func.func @transform_2(%arg0: i32) -> (i32, i32) {
    %c0_i32 = arith.constant 0 : i32
    %c0_i32_0 = arith.constant 0 : i32
    %c0_i32_1 = arith.constant 0 : i32
    return %c0_i32, %c0_i32_0 : i32, i32
  }
  func.func @transform_3(%arg0: i32) -> (i32, i32) {
    %c0_i32 = arith.constant 0 : i32
    %c0_i32_0 = arith.constant 0 : i32
    %c0_i32_1 = arith.constant 0 : i32
    return %c0_i32, %c0_i32_0 : i32, i32
  }
  func.func @transform_4(%arg0: i32) -> (i32, i32) {
    %c0_i32 = arith.constant 0 : i32
    %c0_i32_0 = arith.constant 0 : i32
    return %arg0, %c0_i32 : i32, i32
  }
  func.func @transform_5(%arg0: i32) -> (i32, i32) {
    %c0_i32 = arith.constant 0 : i32
    %c0_i32_0 = arith.constant 0 : i32
    return %arg0, %c0_i32 : i32, i32
  }
  func.func @transform_6(%arg0: i32) -> (i32, i32) {
    %c0_i32 = arith.constant 0 : i32
    %c0_i32_0 = arith.constant 0 : i32
    return %arg0, %c0_i32 : i32, i32
  }
}

module attributes {stable_mosaic.version = 14 : i64} {
  func.func @_combine_body(%arg0: i32, %arg1: memref<2x1000x144xf32, #tpu.memory_space<vmem>>, %arg2: memref<1000x128xf32, #tpu.memory_space<vmem>>) attributes {dimension_semantics = [#tpu.dimension_semantics<arbitrary>], iteration_bounds = array<i64: 10>, scalar_prefetch = 0 : i64, scratch_operands = 0 : i64, tpu.core_type = #tpu.core_type<tc>, window_params = [{transform_indices = @transform_0, window_bounds = array<i64: 2, 1000, 144>}, {transform_indices = @transform_1, window_bounds = array<i64: 1000, 128>}]} {
    %get3A = arith.constant 0 : index
    %get3A_0 = arith.constant 0 : index
    %get3A_1 = arith.constant 0 : index
    %get3A_2 = vector.load %arg1[%get3A, %get3A_0, %get3A_1] : memref<2x1000x144xf32, #tpu.memory_space<vmem>>, vector<1x1000x144xf32>
    %get3A_3 = vector.shape_cast %get3A_2 : vector<1x1000x144xf32> to vector<1000x144xf32>
    %get3A_4 = arith.constant 1 : index
    %get3A_5 = arith.constant 0 : index
    %get3A_6 = arith.constant 0 : index
    %get3A_7 = vector.load %arg1[%get3A_4, %get3A_5, %get3A_6] : memref<2x1000x144xf32, #tpu.memory_space<vmem>>, vector<1x1000x144xf32>
    %get3A_8 = vector.shape_cast %get3A_7 : vector<1x1000x144xf32> to vector<1000x144xf32>
    %add3A = arith.addf %get3A_3, %get3A_8 : vector<1000x144xf32>
    %slice3A = vector.extract_strided_slice %add3A {offsets = [0, 128], sizes = [1000, 1], strides = [1, 1]} : vector<1000x144xf32> to vector<1000x1xf32>
    %max3A = arith.constant 1.000000e-16 : f32
    %max3A_9 = vector.broadcast %max3A : f32 to vector<1000x1xf32>
    %max3A_10 = arith.maximumf %slice3A, %max3A_9 : vector<1000x1xf32>
    %slice3A_11 = vector.extract_strided_slice %add3A {offsets = [0, 0], sizes = [1000, 128], strides = [1, 1]} : vector<1000x144xf32> to vector<1000x128xf32>
    %div3A = vector.broadcast %max3A_10 : vector<1000x1xf32> to vector<1000x128xf32>
    %div3A_12 = arith.divf %slice3A_11, %div3A : vector<1000x128xf32>
    %swap3A = arith.constant 0 : index
    %swap3A_13 = arith.constant 0 : index
    %swap3A_14 = vector.load %arg2[%swap3A, %swap3A_13] : memref<1000x128xf32, #tpu.memory_space<vmem>>, vector<1000x128xf32>
    tpu.vector_store %arg2[%swap3A, %swap3A_13], %div3A_12 {strides = array<i32>} : memref<1000x128xf32, #tpu.memory_space<vmem>>, vector<1000x128xf32>,
    return
  }
  func.func @transform_0(%arg0: i32) -> (i32, i32, i32) {
    %c0_i32 = arith.constant 0 : i32
    %c0_i32_0 = arith.constant 0 : i32
    %c0_i32_1 = arith.constant 0 : i32
    return %c0_i32, %arg0, %c0_i32_0 : i32, i32, i32
  }
  func.func @transform_1(%arg0: i32) -> (i32, i32) {
    %c0_i32 = arith.constant 0 : i32
    %c0_i32_0 = arith.constant 0 : i32
    return %arg0, %c0_i32 : i32, i32
  }
}

</mosaic_0001>

<sc_bundles>
// kernel: kernel.5.cloned.1.call-start
scs
__scs_entry_jumppad:
0x0: {  	(pc) =	sbr.rel $0x88, $3  }
0x1: {  	(tag) =	ssettag $0x0;
	lr =	simm.s32 $0x1  }
0x2: {  	[smem:$0x3F9C] =	sst lr;
	_ =	strace $0xD0000000  }
0x3: {  	_ = 	snop  }
0x4: {  	_ = 	snop  }
0x5: {  	_ = 	snop  }
0x6: {  	_ = 	snop  }
0x7: {  	_ = 	snop  }
__scs_overlays_trampoline_lowered:
0x8: {  	[smem:$0x3FAB] =	sst s0  }
0x9: {  	[smem:$0x3FAC] =	sst s1  }
0xa: {  	[smem:$0x3FAD] =	sst s2  }
0xb: {  	[smem:$0x3FAE] =	sst s3  }
0xc: {  	[smem:$0x3FAF] =	sst s4  }
0xd: {  	[smem:$0x3FB0] =	sst s5  }
0xe: {  	[smem:$0x3FB1] =	sst s6  }
0xf: {  	[smem:$0x3FB2] =	sst s7  }
0x10: {  	[smem:$0x3FB3] =	sst s8  }
0x11: {  	[smem:$0x3FB4] =	sst s9;
	s0 =	simm.s32 @!p0 $0x0  }
0x12: {  	s1 =	sld [smem:$0x3F9A];
	s0 =	simm.s32 @p0 $0x1  }
0x13: {  	[smem:$0x3FB5] =	sst s0;
	s0 =	simm.s32 @!p1 $0x0  }
0x14: {  	s2 =	sld [smem:$0x3F99];
	s0 =	simm.s32 @p1 $0x1  }
0x15: {  	[smem:$0x3FB6] =	sst s0;
	s0 =	simm.s32 @!p2 $0x0  }
0x16: {  	s3 =	sld [smem:$0x3FDB];
	s0 =	simm.s32 @p2 $0x1  }
0x17: {  	s4 =	simm.s32 $0x1BF5;
	[smem:$0x3FB8] =	sst s0  }
0x18: {  	s0 =	sld [smem:$0x3F9B];
	_ =	swait.ge [sflag:s4], $0x0  }
0x19: {  	s7 =	sld [smem:$0x3F9C]  }
0x1a: {  	s8 =	sadd.s32 $0xFFFFE003, lr  }
0x1b: {  	s9 =	sadd.s32 $0xFFFFFEF7, lr;
	s5 =	simm.s32 $0xFFFFFFFF;
	p2 =	slt.u32 s8, $0xFFFFF086  }
0x1c: {  	p1 =	slt.u32 s9, $0xF7A;
	s5 =	simm.s32 @!p2 $0x0  }
0x1d: {  	s5 =	simm.s32 @p1 $0x1;
	p0 =	seq.s32 s7, s2  }
0x1e: {  	s7 =	smul.u32 @!p0 $0xF7A, s2;
	p2 =	seq.s32 @!p0 s5, $0x0  }
0x1f: {  	s9 =	smul.u32 $0xF7A, s1;
	s8 =	simm.s32 @!p0 $0x1BF5;
	p2 =	por !p2, p0  }
0x20: {  	[sflag:s8] =	ssyncset.s32 @!p0 $0xFFFFF086;
	s6 =	sadd.s32 @!p0 s3, s7;
	s7 =	simm.s32 @!p0 $0x108  }
0x21: {  	s3 =	sadd.s32 s3, s9;
	s6 =	sadd.s32 @!p0 $0x88, s6;
	s7 =	simm.s32 @p2 $0x1082  }
0x22: {  	[simem:s7], [sflag:s8] =	dma.local @!p0 [hbm:s6], $0xF7A  }
0x23: {  	s9 =	sor.u32 $0xD0000000, s2;
	s6 =	simm.s32 $0x108;
	_ =	swait.ge @!p0 [sflag:s8], $0x0  }
0x24: {  	s3 =	sadd.s32 $0x88, s3;
	s6 =	simm.s32 @!p1 $0x1082;
	[sflag:s4] =	ssyncset.s32 $0xFFFFF086  }
0x25: {  	[simem:s6], [sflag:s4] =	dma.local [hbm:s3], $0xF7A  }
0x26: {  	[smem:$0x3F9C] =	sst s1;
	(tag) =	ssettag s2;
	_ =	strace s9  }
0x27: {  	s1 =	sld [smem:$0x3FAC]  }
0x28: {  	s2 =	sld [smem:$0x3FAD]  }
0x29: {  	s4 =	sld [smem:$0x3FAF]  }
0x2a: {  	p0 =	seq.s32 s5, $0x0;
	s5 =	sld [smem:$0x3FB0]  }
0x2b: {  	s6 =	sld [smem:$0x3FB1]  }
0x2c: {  	s7 =	sld [smem:$0x3FB2]  }
0x2d: {  	s3 =	simm.s32 $0x108;
	s8 =	sld [smem:$0x3FB3]  }
0x2e: {  	s3 =	simm.s32 @!p0 $0x1082;
	s9 =	sld [smem:$0x3FB4]  }
0x2f: {  	lr =	sadd.s32 s0, s3;
	s0 =	sld [smem:$0x3FAB]  }
0x30: {  	s3 =	sld [smem:$0x3FAE]  }
0x31: {  	[smem:$0x3FB7] =	sst s10  }
0x32: {  	s10 =	sld [smem:$0x3FB5];
	_ =	sdelay $0x3  }
0x33: {  	p0 =	seq.s32 s10, $0x1;
	s10 =	sld [smem:$0x3FB7];
	_ =	sdelay $0x3  }
0x34: {  	[smem:$0x3FB7] =	sst s10  }
0x35: {  	s10 =	sld [smem:$0x3FB6];
	_ =	sdelay $0x3  }
0x36: {  	p1 =	seq.s32 s10, $0x1;
	s10 =	sld [smem:$0x3FB7];
	_ =	sdelay $0x3  }
0x37: {  	[smem:$0x3FB7] =	sst s10  }
0x38: {  	s10 =	sld [smem:$0x3FB8]  }
0x39: {  	_ = 	snop;
	(pc) =	sbr.ind lr, $3  }
0x3a: {  	_ = 	snop  }
0x3b: {  	_ = 	snop  }
0x3c: {  	p2 =	seq.s32 s10, $0x1;
	s10 =	sld [smem:$0x3FB7]  }
0x3d: {  	_ =	shalt  }
0x3e: {  	_ =	shalt  }
0x3f: {  	_ =	shalt  }
0x40: {  	_ =	shalt  }
0x41: {  	_ =	shalt  }
0x42: {  	_ =	shalt  }
0x43: {  	_ =	shalt  }
0x44: {  	_ =	shalt  }
0x45: {  	_ =	shalt  }
0x46: {  	_ =	shalt  }
0x47: {  	_ =	shalt  }
0x48: {  	_ =	shalt  }
0x49: {  	_ =	shalt  }
0x4a: {  	_ =	shalt  }
0x4b: {  	_ =	shalt  }
0x4c: {  	_ =	shalt  }
0x4d: {  	_ =	shalt  }
0x4e: {  	_ =	shalt  }
0x4f: {  	_ =	shalt  }
0x50: {  	_ =	shalt  }
0x51: {  	_ =	shalt  }
0x52: {  	_ =	shalt  }
0x53: {  	_ =	shalt  }
0x54: {  	_ =	shalt  }
0x55: {  	_ =	shalt  }
0x56: {  	_ =	shalt  }
0x57: {  	_ =	shalt  }
0x58: {  	_ =	shalt  }
0x59: {  	_ =	shalt  }
0x5a: {  	_ =	shalt  }
0x5b: {  	_ =	shalt  }
0x5c: {  	_ =	shalt  }
0x5d: {  	_ =	shalt  }
0x5e: {  	_ =	shalt  }
0x5f: {  	_ =	shalt  }
0x60: {  	_ =	shalt  }
0x61: {  	_ =	shalt  }
0x62: {  	_ =	shalt  }
0x63: {  	_ =	shalt  }
0x64: {  	_ =	shalt  }
0x65: {  	_ =	shalt  }
0x66: {  	_ =	shalt  }
0x67: {  	_ =	shalt  }
0x68: {  	_ =	shalt  }
0x69: {  	_ =	shalt  }
0x6a: {  	_ =	shalt  }
0x6b: {  	_ =	shalt  }
0x6c: {  	_ =	shalt  }
0x6d: {  	_ =	shalt  }
0x6e: {  	_ =	shalt  }
0x6f: {  	_ =	shalt  }
0x70: {  	_ =	shalt  }
0x71: {  	_ =	shalt  }
0x72: {  	_ =	shalt  }
0x73: {  	_ =	shalt  }
0x74: {  	_ =	shalt  }
0x75: {  	_ =	shalt  }
0x76: {  	_ =	shalt  }
0x77: {  	_ =	shalt  }
0x78: {  	_ =	shalt  }
0x79: {  	_ =	shalt  }
0x7a: {  	_ =	shalt  }
0x7b: {  	_ =	shalt  }
0x7c: {  	_ =	shalt  }
0x7d: {  	_ =	shalt  }
0x7e: {  	_ =	shalt  }
0x7f: {  	_ =	shalt  }
0x80: {  	_ =	shalt  }
0x81: {  	_ =	shalt  }
0x82: {  	_ =	shalt  }
0x83: {  	_ =	shalt  }
0x84: {  	_ =	shalt  }
0x85: {  	_ =	shalt  }
0x86: {  	_ =	shalt  }
0x87: {  	_ =	shalt  }
.Lfunc_end0:
.L_simem_size_0:
called_computation_lowered:
.L_overlay_start_0:
0x88: {  	s2 =	sld [smem:$0x3FD9]  }
0x89: {  	s3 =	sld [smem:$0x3FFE];
	_ =	sdelay $0x1  }
0x8a: {  	s1 =	srdreg.scid  }
0x8b: {  	s0 =	sand.u32 $0x1, s1  }
0x8c: {  	s17 =	sshll.u32 s0, $0xA;
	s2 =	sadd.s32 s3, s2  }
0x8d: {  	s2 =	sadd.s32 s2, s17  }
0x8e: {  	[smem:$0x3FC3] =	sst s2  }
0x8f: {  	_ = 	snop  }
0x90: {  	s2 =	sld [smem:$0x3FD0];
	(tm) =	ssettm $0x1  }
0x91: {  	s18 =	sld [smem:$0x3FFB];
	_ =	sdelay $0x3  }
0x92: {  	_ =	strace s18  }
0x93: {  	s3 =	sld [smem:$0x3FFC];
	_ =	sdelay $0x3  }
0x94: {  	_ =	strace s3  }
0x95: {  	s3 =	sld [smem:$0x3FFD];
	_ =	sdelay $0x3  }
0x96: {  	_ =	strace s3  }
0x97: {  	_ =	strace $0x8FFFFFFF  }
0x98: {  	s19 =	sld [smem:$0x3FDB];
	_ =	sdelay $0x1  }
0x99: {  	s4 =	simm.s32 $_scs_section_size  }
0x9a: {  	s5 =	simm.s32 $_size__tile_overlayer_lowered;
	s6 =	simm.s32 $_tile_overlayer_lowered  }
0x9b: {  	s22 =	simm.s32 $0x1BFF;
	s21 =	sshll.u32 s6, $0x1;
	s3 =	sadd.s32 s4, s19  }
0x9c: {  	s7 =	simm.s32 $0x0;
	s20 =	sshll.u32 s5, $0x1;
	s5 =	sadd.s32 s21, s3  }
0x9d: {  	[timem:s7], [sflag:s22] =	dma.local [hbm:s5], s20  }
0x9e: {  	_ =	swait.ge [sflag:s22], s20  }
0x9f: {  	s4 =	ssub.s32 $0x0, s20;
	[sflag:s22] =	ssyncset.done $0x0  }
0xa0: {  	[sflag:s22] =	ssyncadd.s32 s4;
	_ =	sdelay $0x1  }
0xa1: {  	s23 =	simm.s32 $0x1B8B  }
0xa2: {  	_ =	swait.ge [sflag:s23], $0x1  }
0xa3: {  	[sflag:s23] =	ssyncset.done $0x0  }
0xa4: {  	s25 =	simm.s32 $0x1B8E;
	s24 =	sld [smem:$0x3FFE];
	[sflag:s23] =	ssyncadd.s32 $0xFFFFFFFF  }
0xa5: {  	s26 =	simm.s32 $execute0_lowered;
	[smem:$0x3FD2] =	sst s25  }
0xa6: {  	s5 =	sshll.u32 s26, $0x1;
	_ =	strace $0x80000046;
	[dreg:$0x1] =	wrdreg $0xFFFFFFFF  }
0xa7: {  	s28 =	simm.s32 $_size_execute0_lowered;
	s3 =	sadd.s32 s3, s5;
	[dreg:$0x0] =	wrdreg $0x0  }
0xa8: {  	s5 =	sshll.u32 s28, $0x1;
	[dreg:$0x2] =	wrdreg s3  }
0xa9: {  	[dreg:$0x3] =	wrdreg s5  }
0xaa: {  	[dreg:$0x4] =	wrdreg $0xC0  }
0xab: {  	_ =	task [dreg:s7], $0x5FFFF  }
0xac: {  	[dreg:$0x1] =	wrdreg $0xFFFFFFFF  }
0xad: {  	[dreg:$0x0] =	wrdreg $0x60  }
0xae: {  	[dreg:$0x2] =	wrdreg s2  }
0xaf: {  	[dreg:$0x3] =	wrdreg s24  }
0xb0: {  	[dreg:$0x4] =	wrdreg $0x82F00  }
0xb1: {  	[dreg:$0x5] =	wrdreg $0x9  }
0xb2: {  	_ =	task.clear_ibuf [dreg:s7], $0x6FFFF;
	_ =	strace $0x90000046  }
0xb3: {  	s29 =	simm.s32 $0x9;
	_ =	strace $0x80000048  }
0xb4: {  	_ =	swait.ge [sflag:s29], $0x1  }
0xb5: {  	[sflag:s29] =	ssyncadd.s32 $0xFFFFFFFF  }
0xb6: {  	_ =	strace $0x90000048  }
0xb7: {  	_ =	sfence  }
0xb8: {  	s30 =	sld [smem:$0x0];
	_ =	sdelay $0x2  }
0xb9: {  	s31 =	sshll.u32 s1, $0xD;
	s1 =	sshrl.u32 s1, $0x2  }
0xba: {  	s3 =	sand.u32 $0x4000, s31;
	s1 =	sadd.s32 s1, s30  }
0xbb: {  	s0 =	sor.u32 s3, s0;
	s1 =	sshll.u32 s1, $0x11  }
0xbc: {  	s0 =	sor.u32 s1, s0  }
0xbd: {  	s0 =	sadd.s32 $0x8F2B, s0  }
0xbe: {  	[sflag:s0] =	ssyncadd.remote.s32 $0x1  }
0xbf: {  	_ =	sfence.sel $0xFFFF  }
0xc0: {  	[dreg:$0x0] =	wrdreg $0xFFFFFFFF;
	(pc) =	sbr.abs _section_cstart, $3  }
0xc1: {  	[dreg:$0x1] =	wrdreg $0xFFFFFFFF  }
0xc2: {  	_ =	task.clear_ibuf [dreg:s7], $0x2FFFF;
	_ =	strace $0x9FFFFFFF  }
0xc3: {  	(tm) =	ssettm $0x7FFFFFFF  }
tec
execute0_lowered:
.L_overlay_start_1:
0x0: {  	(tag) =	ssettag $0x1  }
0x1: {  	v0 =	vlaneseq.u32  }
0x2: {  	v0 =	vmul.u32 $0x10, v0;
	_ =	sdelay $0x1  }
0x3: {  	v2 =	vor.u32 $0x1, v0  }
0x4: {  	v13 =	vor.u32 $0xC, v0;
	v14 =	vor.u32 $0xD, v0;
	v15 =	vor.u32 $0xE, v0  }
0x5: {  	v16 =	vor.u32 $0xF, v0;
	v17 =	vor.u32 $0x100, v0;
	v18 =	vor.u32 $0x101, v0  }
0x6: {  	s0 =	rddreg [dreg:$0x0];
	v19 =	vor.u32 $0x102, v0;
	v20 =	vor.u32 $0x103, v0;
	v21 =	vor.u32 $0x104, v0  }
0x7: {  	s1 =	rddreg [dreg:$0x1];
	v22 =	vor.u32 $0x105, v0;
	v23 =	vor.u32 $0x106, v0;
	v24 =	vor.u32 $0x107, v0  }
0x8: {  	s2 =	rddreg [dreg:$0x2];
	v25 =	vor.u32 $0x108, v0;
	v26 =	vor.u32 $0x109, v0;
	v27 =	vor.u32 $0x10A, v0  }
0x9: {  	s3 =	srdreg.scid;
	s12 =	stileid.u32;
	v28 =	vor.u32 $0x10B, v0;
	v29 =	vor.u32 $0x10C, v0;
	v30 =	vor.u32 $0x10D, v0  }
0xa: {  	s4 =	simm.s32 $0x0;
	s19 =	simm.s32 $0x50A0;
	s20 =	simm.s32 $0x2;
	v31 =	vor.u32 $0x10E, v0;
	v32 =	vor.u32 $0x10F, v0;
	[tilespmem:$0x1FF50] =	vst v2;
	v2 =	vor.u32 $0x2, v0  }
0xb: {  	s21 =	simm.s32 $0x50;
	s22 =	simm.s32 $0xA0;
	s28 =	simm.s32 $0x0;
	v33 =	vor.u32 $0x200, v0;
	v34 =	vor.u32 $0x201, v0;
	[tilespmem:$0x1FF60] =	vst v2;
	v2 =	vor.u32 $0x3, v0  }
0xc: {  	s29 =	simm.s32 $0x0;
	s3 =	sand.u32 $0x1, s3;
	s8 =	smul.u32 $0x15F90, s12;
	v35 =	vor.u32 $0x202, v0;
	v36 =	vor.u32 $0x203, v0;
	[tilespmem:$0x1FF70] =	vst v2;
	v2 =	vor.u32 $0x4, v0  }
0xd: {  	[smem:$0x7FF] =	sst s4;
	s5 =	sadd.s32 $0x14E00, s1;
	s10 =	smul.u32 $0x57E40, s12;
	v37 =	vor.u32 $0x204, v0;
	v38 =	vor.u32 $0x205, v0;
	[tilespmem:$0x1FF80] =	vst v2;
	v2 =	vor.u32 $0x5, v0  }
0xe: {  	s6 =	sadd.s32 $0x3C000, s1;
	s24 =	sshll.u32 s12, $0x1;
	s7 =	smul.u32 $0x15F900, s3;
	v39 =	vor.u32 $0x206, v0;
	v40 =	vor.u32 $0x207, v0;
	[tilespmem:$0x1FF90] =	vst v2;
	v2 =	vor.u32 $0x6, v0  }
0xf: {  	s11 =	ssub.s32 $0x2, s3;
	s3 =	sor.u32 s3, s24;
	s24 =	simm.s32 $0x1;
	v41 =	vor.u32 $0x208, v0;
	v42 =	vor.u32 $0x209, v0;
	[tilespmem:$0x1FFA0] =	vst v2;
	v2 =	vor.u32 $0x7, v0  }
0x10: {  	s23 =	sshrl.u32 s11, $0x1;
	s10 =	sshrl.u32 s10, $0x2;
	v43 =	vor.u32 $0x20A, v0;
	v44 =	vor.u32 $0x20B, v0;
	s16 =	smul.u32 $0x2710, s3;
	[tilespmem:$0x1FFB0] =	vst v2;
	v2 =	vor.u32 $0x8, v0  }
0x11: {  	v45 =	vor.u32 $0x20C, v0;
	v46 =	vor.u32 $0x20D, v0;
	s9 =	sadd.s32 s8, s7;
	s7 =	sadd.s32 $0x1400, s1;
	s10 =	sadd.s32 s10, s2;
	[tilespmem:$0x1FFC0] =	vst v2;
	v2 =	vor.u32 $0x9, v0  }
0x12: {  	v47 =	vor.u32 $0x20E, v0;
	v48 =	vor.u32 $0x20F, v0;
	s8 =	sadd.s32 s8, s2;
	s9 =	sshrl.u32 s9, $0x3;
	s25 =	sadd.s32 $0x2D00, s10;
	[tilespmem:$0x1FFD0] =	vst v2;
	v2 =	vor.u32 $0xA, v0  }
0x13: {  	v1 =	vimm.f32 $0.0e+00;
	v49 =	vor.u32 $0x300, v0;
	s26 =	sadd.s32 $0x5A00, s10;
	s30 =	sadd.s32 $0x8700, s10;
	s31 =	sadd.s32 $0xB400, s10;
	[tilespmem:$0x1FFE0] =	vst v2;
	v2 =	vor.u32 $0xB, v0  }
0x14: {  	vm0 =	vmmov $0x1;
	v50 =	vor.u32 $0x301, v0;
	v51 =	vor.u32 $0x302, v0;
	s13 =	sadd.s32 $0xE100, s10;
	s14 =	sadd.s32 $0x10E00, s10;
	s15 =	sadd.s32 $0x13B00, s10;
	[tilespmem:$0x1FFF0] =	vst v2  }
0x15: {  	v52 =	vor.u32 $0x303, v0;
	v53 =	vor.u32 $0x304, v0;
	v54 =	vor.u32 $0x305, v0;
	s1 =	sadd.s32 s9, s1;
	_ =	strace $0x80000047;
	[dreg:$0x4] =	wrdreg s25  }
0x16: {  	v55 =	vor.u32 $0x306, v0;
	v56 =	vor.u32 $0x307, v0;
	v57 =	vor.u32 $0x308, v0;
	s9 =	ssub.s32 s11, s23;
	s23 =	simm.s32 $0x28A0;
	[dreg:$0x5] =	wrdreg s26  }
0x17: {  	v58 =	vor.u32 $0x309, v0;
	v59 =	vor.u32 $0x30A, v0;
	v60 =	vor.u32 $0x30B, v0;
	s17 =	sadd.s32 $0x63200, s1;
	s18 =	smax.u32 s9, $0x1;
	[dreg:$0x6] =	wrdreg s30  }
0x18: {  	v61 =	vor.u32 $0x30C, v0;
	v62 =	vor.u32 $0x30D, v0;
	v63 =	vor.u32 $0x30E, v0;
	[dreg:$0x7] =	wrdreg s31;
	s25 =	simm.s32 $0x7DA0;
	s26 =	simm.s32 $0x82A0  }
.LBB2_1:
0x19: {  	s1 =	simm.s32 $0x0;
	s3 =	simm.s32 $0x240  }
.LBB2_2:
0x1a: {  	p0 =	sne.s32 s3, $0xB1C0;
	[tilespmem:s1+$0x5120] =	vst v1  }
0x1b: {  	[tilespmem:s1+$0x50A0] =	vst v1  }
0x1c: {  	[tilespmem:s1+$0x50B0] =	vst v1  }
0x1d: {  	[tilespmem:s1+$0x50C0] =	vst v1  }
.Ltmp0:
0x1e: {  	[tilespmem:s1+$0x50D0] =	vst v1;
	(pc) =	sbr.rel @p0 .LBB2_2-.Ltmp0, $4  }
0x1f: {  	[tilespmem:s1+$0x50E0] =	vst v1  }
0x20: {  	[tilespmem:s1+$0x50F0] =	vst v1  }
0x21: {  	[tilespmem:s1+$0x5100] =	vst v1  }
0x22: {  	[tilespmem:s1+$0x5110] =	vst v1;
	s1 =	sshra.s32 s3, $0x2;
	s3 =	sadd.s32 $0x240, s3  }
0x23: {  	[tilespmem:s1+$0x5120] =	vst v1  }
0x24: {  	[tilespmem:s1+$0x50A0] =	vst v1  }
0x25: {  	[tilespmem:s1+$0x50B0] =	vst v1  }
0x26: {  	[tilespmem:s1+$0x50C0] =	vst v1  }
0x27: {  	[tilespmem:s1+$0x50D0] =	vst v1  }
0x28: {  	[tilespmem:s1+$0x50E0] =	vst v1  }
0x29: {  	[tilespmem:s1+$0x50F0] =	vst v1  }
0x2a: {  	[tilespmem:s1+$0x5100] =	vst v1  }
0x2b: {  	[tilespmem:s1+$0x5110] =	vst v1  }
0x2c: {  	[spmem:s8] =	stream.linear.scatter [tilespmem:s19], [sflag:$0x2], $0x2D00, $0x38;
	[tilespmem:$0x1E280] =	vst v63  }
0x2d: {  	_ =	swait.ge [sflag:s20], $0x2D00  }
0x2e: {  	[sflag:s20] =	ssyncset.done $0x0  }
0x2f: {  	s10 =	rddreg [dreg:$0x4];
	[sflag:s20] =	ssyncadd.s32 $0xFFFFD300  }
0x30: {  	[spmem:s10] =	stream.linear.scatter [tilespmem:s19], [sflag:$0x2], $0x2D00, $0x38;
	[tilespmem:$0x1E280] =	vst v63  }
0x31: {  	_ =	swait.ge [sflag:s20], $0x2D00  }
0x32: {  	[sflag:s20] =	ssyncset.done $0x0  }
0x33: {  	s11 =	rddreg [dreg:$0x5];
	[sflag:s20] =	ssyncadd.s32 $0xFFFFD300  }
0x34: {  	[spmem:s11] =	stream.linear.scatter [tilespmem:s19], [sflag:$0x2], $0x2D00, $0x38;
	[tilespmem:$0x1E280] =	vst v63  }
0x35: {  	_ =	swait.ge [sflag:s20], $0x2D00  }
0x36: {  	[sflag:s20] =	ssyncset.done $0x0  }
0x37: {  	s12 =	rddreg [dreg:$0x6];
	[sflag:s20] =	ssyncadd.s32 $0xFFFFD300  }
0x38: {  	[spmem:s12] =	stream.linear.scatter [tilespmem:s19], [sflag:$0x2], $0x2D00, $0x38;
	[tilespmem:$0x1E280] =	vst v63  }
0x39: {  	_ =	swait.ge [sflag:s20], $0x2D00  }
0x3a: {  	[sflag:s20] =	ssyncset.done $0x0  }
0x3b: {  	s31 =	rddreg [dreg:$0x7];
	[sflag:s20] =	ssyncadd.s32 $0xFFFFD300  }
0x3c: {  	[spmem:s31] =	stream.linear.scatter [tilespmem:s19], [sflag:$0x2], $0x2D00, $0x38;
	[tilespmem:$0x1E280] =	vst v63  }
0x3d: {  	_ =	swait.ge [sflag:s20], $0x2D00  }
0x3e: {  	[sflag:s20] =	ssyncset.done $0x0  }
0x3f: {  	[sflag:s20] =	ssyncadd.s32 $0xFFFFD300  }
0x40: {  	[spmem:s13] =	stream.linear.scatter [tilespmem:s19], [sflag:$0x2], $0x2D00, $0x38;
	[tilespmem:$0x1E280] =	vst v63  }
0x41: {  	_ =	swait.ge [sflag:s20], $0x2D00  }
0x42: {  	[sflag:s20] =	ssyncset.done $0x0  }
0x43: {  	[sflag:s20] =	ssyncadd.s32 $0xFFFFD300  }
0x44: {  	[spmem:s14] =	stream.linear.scatter [tilespmem:s19], [sflag:$0x2], $0x2D00, $0x38;
	[tilespmem:$0x1E280] =	vst v63  }
0x45: {  	_ =	swait.ge [sflag:s20], $0x2D00  }
0x46: {  	[sflag:s20] =	ssyncset.done $0x0  }
0x47: {  	[sflag:s20] =	ssyncadd.s32 $0xFFFFD300  }
0x48: {  	[spmem:s15] =	stream.linear.scatter [tilespmem:s19], [sflag:$0x2], $0x2490, $0x38;
	[tilespmem:$0x1E280] =	vst v63  }
0x49: {  	_ =	swait.ge [sflag:s20], $0x2490  }
0x4a: {  	[sflag:s20] =	ssyncset.done $0x0  }
0x4b: {  	[sflag:s20] =	ssyncadd.s32 $0xFFFFDB70  }
0x4c: {  	s30 =	simm.s32 $0x0;
	[bflag:$0x0] =	sbarrier.arrive $0xFFFF  }
.LBB2_4:
0x4d: {  	s1 =	smul.u32 $0x50, s30;
	_ =	sdelay $0x1  }
0x4e: {  	s1 =	sadd.s32 s16, s1  }
0x4f: {  	s1 =	sshrl.u32 s1, $0x3  }
0x50: {  	s1 =	sadd.s32 s7, s1  }
0x51: {  	s3 =	sadd.s32 $0x9C40, s1  }
0x52: {  	[tilespmem:s29], [sflag:$0x2] =	stream.linear.gather [hbm4b:s3+s29], $0x50, $0x38;
	[tilespmem:$0x1E280] =	vst v63  }
0x53: {  	_ =	swait.ge [sflag:s20], $0x50  }
0x54: {  	[sflag:s20] =	ssyncset.done $0x0  }
0x55: {  	[sflag:s20] =	ssyncadd.s32 $0xFFFFFFB0  }
0x56: {  	[tilespmem:s21], [sflag:$0x2] =	stream.linear.gather [hbm4b:s1+s29], $0x50, $0x38;
	[tilespmem:$0x1E280] =	vst v63  }
0x57: {  	_ =	swait.ge [sflag:s20], $0x50  }
0x58: {  	[sflag:s20] =	ssyncset.done $0x0  }
0x59: {  	[sflag:s20] =	ssyncadd.s32 $0xFFFFFFB0  }
0x5a: {  	[tilespmem:s22], [sflag:$0x1] =	stream.indirect.gather [hbm4b:s0+s21], $0x80, s29, s21, $0xb8;
	[tilespmem:$0x1E280] =	vst v63  }
0x5b: {  	_ = 	snop  }
0x5c: {  	[tilespmem:s23], [sflag:$0x1] =	stream.indirect.gather [hbm4b:s5+s21], $0x80, s21, s21, $0xb8;
	[tilespmem:$0x1E280] =	vst v63  }
0x5d: {  	_ =	swait.ge [sflag:s24], $0x2800  }
0x5e: {  	[sflag:s24] =	ssyncset.done $0x0  }
0x5f: {  	[sflag:s24] =	ssyncadd.s32 $0xFFFFD800  }
0x60: {  	_ =	swait.ge [sflag:s24], $0x2800  }
0x61: {  	s10 =	simm.s32 $0x7DA0;
	s9 =	simm.s32 $0x0;
	[sflag:s24] =	ssyncset.done $0x0  }
0x62: {  	s3 =	simm.s32 $0x2910;
	s1 =	simm.s32 $0xE0;
	[sflag:s24] =	ssyncadd.s32 $0xFFFFD800  }
.LBB2_5:
0x63: {  	v2 =	vmov s3  }
0x64: {  	v3 =	vmov s1;
	_ =	sdelay $0x2  }
0x65: {  	s11 =	simm.s32 $0x0  }
0x66: {  	v4 =	vld.idx.msk [tilespmem:v2+s11+$0xFFFFFF90 ss:$0x1], $0xffff  }
0x67: {  	v5 =	vld.idx.msk [tilespmem:v3+s11+$0xFFFFFFC0 ss:$0x1], $0xffff  }
0x68: {  	v6 =	vld.idx.msk [tilespmem:v3+s11+$0xFFFFFFD0 ss:$0x1], $0xffff  }
0x69: {  	v7 =	vld.idx.msk [tilespmem:v2+s11+$0xFFFFFFA0 ss:$0x1], $0xffff  }
0x6a: {  	v8 =	vld.idx.msk [tilespmem:v3+s11+$0xFFFFFFE0 ss:$0x1], $0xffff  }
0x6b: {  	v9 =	vld.idx.msk [tilespmem:v2+s11+$0xFFFFFFB0 ss:$0x1], $0xffff  }
0x6c: {  	v10 =	vld.idx.msk [tilespmem:v3+s11+$0xFFFFFFF0 ss:$0x1], $0xffff  }
0x6d: {  	v11 =	vld.idx.msk [tilespmem:v2+s11+$0xFFFFFFC0 ss:$0x1], $0xffff  }
0x6e: {  	v12 =	vld.idx.msk [tilespmem:v3+s11+$0x0 ss:$0x1], $0xffff;
	v4 =	vmul.f32 v4, v5;
	v5 =	vmul.f32 v7, v6  }
0x6f: {  	v6 =	vld.idx.msk [tilespmem:v2+s11+$0xFFFFFFD0 ss:$0x1], $0xffff  }
0x70: {  	v7 =	vld.idx.msk [tilespmem:v3+s11+$0x10 ss:$0x1], $0xffff;
	v4 =	vadd.f32 v5, v4;
	v5 =	vmul.f32 v9, v8  }
0x71: {  	v8 =	vld.idx.msk [tilespmem:v2+s11+$0xFFFFFFE0 ss:$0x1], $0xffff  }
0x72: {  	v9 =	vld.idx.msk [tilespmem:v3+s11+$0x20 ss:$0x1], $0xffff;
	v4 =	vadd.f32 v5, v4;
	v5 =	vmul.f32 v11, v10  }
0x73: {  	v10 =	vld.idx.msk [tilespmem:v2+s11+$0xFFFFFFF0 ss:$0x1], $0xffff  }
0x74: {  	v11 =	vld.idx.msk [tilespmem:v3+s11+$0x30 ss:$0x1], $0xffff;
	v4 =	vadd.f32 v5, v4;
	v5 =	vmul.f32 v6, v12  }
0x75: {  	v6 =	vld.idx.msk [tilespmem:v2+s11+$0x0 ss:$0x1], $0xffff  }
0x76: {  	v4 =	vadd.f32 v5, v4;
	v5 =	vmul.f32 v8, v7;
	_ =	sdelay $0x1  }
0x77: {  	v4 =	vadd.f32 v5, v4;
	v5 =	vmul.f32 v10, v9;
	_ =	sdelay $0x1  }
0x78: {  	v4 =	vadd.f32 v5, v4;
	v5 =	vmul.f32 v6, v11;
	_ =	sdelay $0x1  }
0x79: {  	v4 =	vadd.f32 v5, v4;
	_ =	sdelay $0x1  }
0x7a: {  	s11 =	simm.s32 $0x80;
	[tilespmem:s10+$0x0] =	vst v4  }
0x7b: {  	v4 =	vld.idx.msk [tilespmem:v2+s11+$0xFFFFFF90 ss:$0x1], $0xffff  }
0x7c: {  	v5 =	vld.idx.msk [tilespmem:v3+s11+$0xFFFFFFC0 ss:$0x1], $0xffff  }
0x7d: {  	s12 =	simm.s32 $0x400;
	s31 =	smov.u32 s10;
	v6 =	vld.idx.msk [tilespmem:v3+s11+$0xFFFFFFD0 ss:$0x1], $0xffff  }
.LBB2_6:
0x7e: {  	p0 =	sne.s32 s12, $0x1E00;
	v7 =	vld.idx.msk [tilespmem:v2+s11+$0xFFFFFFA0 ss:$0x1], $0xffff  }
0x7f: {  	v8 =	vld.idx.msk [tilespmem:v3+s11+$0xFFFFFFE0 ss:$0x1], $0xffff  }
0x80: {  	v9 =	vld.idx.msk [tilespmem:v2+s11+$0xFFFFFFB0 ss:$0x1], $0xffff  }
0x81: {  	v10 =	vld.idx.msk [tilespmem:v3+s11+$0xFFFFFFF0 ss:$0x1], $0xffff  }
0x82: {  	v11 =	vld.idx.msk [tilespmem:v2+s11+$0xFFFFFFC0 ss:$0x1], $0xffff  }
0x83: {  	v12 =	vld.idx.msk [tilespmem:v3+s11+$0x0 ss:$0x1], $0xffff  }
0x84: {  	v4 =	vmul.f32 v4, v5;
	v5 =	vmul.f32 v7, v6;
	v6 =	vld.idx.msk [tilespmem:v2+s11+$0xFFFFFFD0 ss:$0x1], $0xffff  }
0x85: {  	v7 =	vld.idx.msk [tilespmem:v3+s11+$0x10 ss:$0x1], $0xffff  }
0x86: {  	v4 =	vadd.f32 v5, v4;
	v5 =	vmul.f32 v9, v8;
	v8 =	vld.idx.msk [tilespmem:v2+s11+$0xFFFFFFE0 ss:$0x1], $0xffff  }
0x87: {  	v9 =	vld.idx.msk [tilespmem:v3+s11+$0x20 ss:$0x1], $0xffff  }
0x88: {  	v4 =	vadd.f32 v5, v4;
	v5 =	vmul.f32 v11, v10;
	v10 =	vld.idx.msk [tilespmem:v2+s11+$0xFFFFFFF0 ss:$0x1], $0xffff  }
0x89: {  	v11 =	vld.idx.msk [tilespmem:v3+s11+$0x30 ss:$0x1], $0xffff  }
0x8a: {  	v4 =	vadd.f32 v5, v4;
	v5 =	vmul.f32 v6, v12;
	v6 =	vld.idx.msk [tilespmem:v2+s11+$0x0 ss:$0x1], $0xffff;
	_ =	sdelay $0x1  }
0x8b: {  	v4 =	vadd.f32 v5, v4;
	v5 =	vmul.f32 v8, v7;
	_ =	sdelay $0x1  }
0x8c: {  	v4 =	vadd.f32 v5, v4;
	v5 =	vmul.f32 v10, v9;
	_ =	sdelay $0x1  }
0x8d: {  	v4 =	vadd.f32 v5, v4;
	v5 =	vmul.f32 v6, v11;
	_ =	sdelay $0x1  }
0x8e: {  	v4 =	vadd.f32 v5, v4  }
.Ltmp1:
0x8f: {  	s31 =	sadd.s32 $0x10, s31;
	(pc) =	sbr.rel @p0 .LBB2_6-.Ltmp1, $4  }
0x90: {  	s11 =	sshra.s32 s12, $0x2;
	[tilespmem:s31+$0x0] =	vst v4  }
0x91: {  	v4 =	vld.idx.msk [tilespmem:v2+s11+$0xFFFFFF90 ss:$0x1], $0xffff  }
0x92: {  	v5 =	vld.idx.msk [tilespmem:v3+s11+$0xFFFFFFC0 ss:$0x1], $0xffff  }
0x93: {  	s12 =	sadd.s32 $0x200, s12;
	v6 =	vld.idx.msk [tilespmem:v3+s11+$0xFFFFFFD0 ss:$0x1], $0xffff  }
0x94: {  	_ =	sdelay $0x3  }
0x95: {  	v7 =	vld.idx.msk [tilespmem:v2+s11+$0xFFFFFFA0 ss:$0x1], $0xffff  }
0x96: {  	v8 =	vld.idx.msk [tilespmem:v3+s11+$0xFFFFFFE0 ss:$0x1], $0xffff  }
0x97: {  	v9 =	vld.idx.msk [tilespmem:v2+s11+$0xFFFFFFB0 ss:$0x1], $0xffff  }
0x98: {  	v10 =	vld.idx.msk [tilespmem:v3+s11+$0xFFFFFFF0 ss:$0x1], $0xffff  }
0x99: {  	v11 =	vld.idx.msk [tilespmem:v2+s11+$0xFFFFFFC0 ss:$0x1], $0xffff  }
0x9a: {  	v12 =	vld.idx.msk [tilespmem:v3+s11+$0x0 ss:$0x1], $0xffff;
	v4 =	vmul.f32 v4, v5;
	v5 =	vmul.f32 v7, v6  }
0x9b: {  	v6 =	vld.idx.msk [tilespmem:v2+s11+$0xFFFFFFD0 ss:$0x1], $0xffff  }
0x9c: {  	v7 =	vld.idx.msk [tilespmem:v3+s11+$0x10 ss:$0x1], $0xffff;
	v4 =	vadd.f32 v5, v4;
	v5 =	vmul.f32 v9, v8  }
0x9d: {  	v8 =	vld.idx.msk [tilespmem:v2+s11+$0xFFFFFFE0 ss:$0x1], $0xffff  }
0x9e: {  	v9 =	vld.idx.msk [tilespmem:v3+s11+$0x20 ss:$0x1], $0xffff;
	v4 =	vadd.f32 v5, v4;
	v5 =	vmul.f32 v11, v10  }
0x9f: {  	v10 =	vld.idx.msk [tilespmem:v2+s11+$0xFFFFFFF0 ss:$0x1], $0xffff  }
0xa0: {  	v3 =	vld.idx.msk [tilespmem:v3+s11+$0x30 ss:$0x1], $0xffff;
	v11 =	vmul.f32 v6, v12;
	v4 =	vadd.f32 v5, v4  }
0xa1: {  	v2 =	vld.idx.msk [tilespmem:v2+s11+$0x0 ss:$0x1], $0xffff  }
0xa2: {  	v8 =	vmul.f32 v8, v7;
	v4 =	vadd.f32 v11, v4;
	_ =	sdelay $0x1  }
0xa3: {  	s9 =	sadd.s32 $0x1, s9;
	v11 =	vmul.f32 v10, v9;
	v4 =	vadd.f32 v8, v4  }
0xa4: {  	p0 =	sne.s32 s9, $0x5  }
.Ltmp2:
0xa5: {  	v2 =	vmul.f32 v2, v3;
	v4 =	vadd.f32 v11, v4;
	(pc) =	sbr.rel @p0 .LBB2_5-.Ltmp2, $4  }
0xa6: {  	_ = 	snop  }
0xa7: {  	v2 =	vadd.f32 v2, v4  }
0xa8: {  	s31 =	sadd.s32 $0x10, s31  }
0xa9: {  	s10 =	sadd.s32 $0x100, s10;
	s1 =	sadd.s32 $0x800, s1;
	s3 =	sadd.s32 $0x800, s3;
	[tilespmem:s31+$0x0] =	vst v2  }
0xaa: {  	v3 =	vld [tilespmem:$0x1FF50];
	_ =	sdelay $0x1  }
0xab: {  	v4 =	vld [tilespmem:$0x1FF60];
	_ =	sdelay $0x3  }
0xac: {  	[tilespmem:s23], [sflag:$0x1] =	stream.indirect.gather [hbm4b:s6+s21], $0x80, s21, s21, $0xb8;
	[tilespmem:$0x1E280] =	vst v63  }
0xad: {  	v2 =	vld.idx.msk [tilespmem:v0+s25+$0x0], $0xffff  }
0xae: {  	v3 =	vld.idx.msk [tilespmem:v3+s25+$0x0], $0xffff;
	_ =	sdelay $0x1  }
0xaf: {  	v4 =	vld.idx.msk [tilespmem:v4+s25+$0x0], $0xffff  }
0xb0: {  	v5 =	vld [tilespmem:$0x1FF70];
	_ =	sdelay $0x1  }
0xb1: {  	v2 =	vadd.f32 v3, v2;
	v3 =	vld [tilespmem:$0x1FF80];
	_ =	sdelay $0x1  }
0xb2: {  	v2 =	vadd.f32 v4, v2;
	v4 =	vld [tilespmem:$0x1FF90];
	_ =	sdelay $0x3  }
0xb3: {  	v5 =	vld.idx.msk [tilespmem:v5+s25+$0x0], $0xffff;
	_ =	sdelay $0x1  }
0xb4: {  	v3 =	vld.idx.msk [tilespmem:v3+s25+$0x0], $0xffff;
	_ =	sdelay $0x1  }
0xb5: {  	v4 =	vld.idx.msk [tilespmem:v4+s25+$0x0], $0xffff  }
0xb6: {  	v2 =	vadd.f32 v5, v2;
	v5 =	vld [tilespmem:$0x1FFA0];
	_ =	sdelay $0x1  }
0xb7: {  	v2 =	vadd.f32 v3, v2;
	v3 =	vld [tilespmem:$0x1FFB0];
	_ =	sdelay $0x1  }
0xb8: {  	v2 =	vadd.f32 v4, v2;
	v4 =	vld [tilespmem:$0x1FFC0];
	_ =	sdelay $0x3  }
0xb9: {  	v5 =	vld.idx.msk [tilespmem:v5+s25+$0x0], $0xffff;
	_ =	sdelay $0x1  }
0xba: {  	v3 =	vld.idx.msk [tilespmem:v3+s25+$0x0], $0xffff;
	_ =	sdelay $0x1  }
0xbb: {  	v4 =	vld.idx.msk [tilespmem:v4+s25+$0x0], $0xffff  }
0xbc: {  	v2 =	vadd.f32 v5, v2;
	v5 =	vld [tilespmem:$0x1FFD0];
	_ =	sdelay $0x1  }
0xbd: {  	v2 =	vadd.f32 v3, v2;
	v3 =	vld [tilespmem:$0x1FFE0];
	_ =	sdelay $0x1  }
0xbe: {  	v2 =	vadd.f32 v4, v2;
	v4 =	vld [tilespmem:$0x1FFF0];
	_ =	sdelay $0x3  }
0xbf: {  	v5 =	vld.idx.msk [tilespmem:v5+s25+$0x0], $0xffff;
	_ =	sdelay $0x1  }
0xc0: {  	v3 =	vld.idx.msk [tilespmem:v3+s25+$0x0], $0xffff;
	_ =	sdelay $0x1  }
0xc1: {  	v4 =	vld.idx.msk [tilespmem:v4+s25+$0x0], $0xffff  }
0xc2: {  	v2 =	vadd.f32 v5, v2  }
0xc3: {  	v5 =	vld.idx.msk [tilespmem:v13+s25+$0x0], $0xffff  }
0xc4: {  	v2 =	vadd.f32 v3, v2  }
0xc5: {  	v3 =	vld.idx.msk [tilespmem:v14+s25+$0x0], $0xffff  }
0xc6: {  	v2 =	vadd.f32 v4, v2  }
0xc7: {  	v4 =	vld.idx.msk [tilespmem:v15+s25+$0x0], $0xffff  }
0xc8: {  	v2 =	vadd.f32 v5, v2  }
0xc9: {  	v5 =	vld.idx.msk [tilespmem:v16+s25+$0x0], $0xffff  }
0xca: {  	v2 =	vadd.f32 v3, v2;
	_ =	sdelay $0x1  }
0xcb: {  	v2 =	vadd.f32 v4, v2;
	_ =	sdelay $0x1  }
0xcc: {  	v2 =	vadd.f32 v5, v2;
	_ =	sdelay $0x1  }
0xcd: {  	v2 =	vmin.f32 v2, $7.000000000e+01  }
0xce: {  	v2 =	vmul.f32 $1.442695020e+00, v2;
	_ =	sdelay $0x1  }
0xcf: {  	(erf) = vpow2.f32 v2;
	_ =	sdelay $0x8  }
0xd0: {  	v2 =	vpop (erf)  }
0xd1: {  	[tilespmem:$0x82A0] =	vst v2  }
0xd2: {  	v2 =	vld.idx.msk [tilespmem:v17+s25+$0x0], $0xffff  }
0xd3: {  	v3 =	vld.idx.msk [tilespmem:v18+s25+$0x0], $0xffff;
	_ =	sdelay $0x1  }
0xd4: {  	v4 =	vld.idx.msk [tilespmem:v19+s25+$0x0], $0xffff;
	_ =	sdelay $0x1  }
0xd5: {  	v5 =	vld.idx.msk [tilespmem:v20+s25+$0x0], $0xffff  }
0xd6: {  	v2 =	vadd.f32 v3, v2  }
0xd7: {  	v3 =	vld.idx.msk [tilespmem:v21+s25+$0x0], $0xffff  }
0xd8: {  	v2 =	vadd.f32 v4, v2  }
0xd9: {  	v4 =	vld.idx.msk [tilespmem:v22+s25+$0x0], $0xffff  }
0xda: {  	v2 =	vadd.f32 v5, v2  }
0xdb: {  	v5 =	vld.idx.msk [tilespmem:v23+s25+$0x0], $0xffff  }
0xdc: {  	v2 =	vadd.f32 v3, v2  }
0xdd: {  	v3 =	vld.idx.msk [tilespmem:v24+s25+$0x0], $0xffff  }
0xde: {  	v2 =	vadd.f32 v4, v2  }
0xdf: {  	v4 =	vld.idx.msk [tilespmem:v25+s25+$0x0], $0xffff  }
0xe0: {  	v2 =	vadd.f32 v5, v2  }
0xe1: {  	v5 =	vld.idx.msk [tilespmem:v26+s25+$0x0], $0xffff  }
0xe2: {  	v2 =	vadd.f32 v3, v2  }
0xe3: {  	v3 =	vld.idx.msk [tilespmem:v27+s25+$0x0], $0xffff  }
0xe4: {  	v2 =	vadd.f32 v4, v2  }
0xe5: {  	v4 =	vld.idx.msk [tilespmem:v28+s25+$0x0], $0xffff  }
0xe6: {  	v2 =	vadd.f32 v5, v2  }
0xe7: {  	v5 =	vld.idx.msk [tilespmem:v29+s25+$0x0], $0xffff  }
0xe8: {  	v2 =	vadd.f32 v3, v2  }
0xe9: {  	v3 =	vld.idx.msk [tilespmem:v30+s25+$0x0], $0xffff  }
0xea: {  	v2 =	vadd.f32 v4, v2  }
0xeb: {  	v4 =	vld.idx.msk [tilespmem:v31+s25+$0x0], $0xffff  }
0xec: {  	v2 =	vadd.f32 v5, v2  }
0xed: {  	v5 =	vld.idx.msk [tilespmem:v32+s25+$0x0], $0xffff  }
0xee: {  	v2 =	vadd.f32 v3, v2;
	_ =	sdelay $0x1  }
0xef: {  	v2 =	vadd.f32 v4, v2;
	_ =	sdelay $0x1  }
0xf0: {  	v2 =	vadd.f32 v5, v2;
	_ =	sdelay $0x1  }
0xf1: {  	v2 =	vmin.f32 v2, $7.000000000e+01  }
0xf2: {  	v2 =	vmul.f32 $1.442695020e+00, v2;
	_ =	sdelay $0x1  }
0xf3: {  	(erf) = vpow2.f32 v2;
	_ =	sdelay $0x8  }
0xf4: {  	v2 =	vpop (erf)  }
0xf5: {  	[tilespmem:$0x82B0] =	vst v2  }
0xf6: {  	v2 =	vld.idx.msk [tilespmem:v33+s25+$0x0], $0xffff  }
0xf7: {  	v3 =	vld.idx.msk [tilespmem:v34+s25+$0x0], $0xffff;
	_ =	sdelay $0x1  }
0xf8: {  	v4 =	vld.idx.msk [tilespmem:v35+s25+$0x0], $0xffff;
	_ =	sdelay $0x1  }
0xf9: {  	v5 =	vld.idx.msk [tilespmem:v36+s25+$0x0], $0xffff  }
0xfa: {  	v2 =	vadd.f32 v3, v2  }
0xfb: {  	v3 =	vld.idx.msk [tilespmem:v37+s25+$0x0], $0xffff  }
0xfc: {  	v2 =	vadd.f32 v4, v2  }
0xfd: {  	v4 =	vld.idx.msk [tilespmem:v38+s25+$0x0], $0xffff  }
0xfe: {  	v2 =	vadd.f32 v5, v2  }
0xff: {  	v5 =	vld.idx.msk [tilespmem:v39+s25+$0x0], $0xffff  }
0x100: {  	v2 =	vadd.f32 v3, v2  }
0x101: {  	v3 =	vld.idx.msk [tilespmem:v40+s25+$0x0], $0xffff  }
0x102: {  	v2 =	vadd.f32 v4, v2  }
0x103: {  	v4 =	vld.idx.msk [tilespmem:v41+s25+$0x0], $0xffff  }
0x104: {  	v2 =	vadd.f32 v5, v2  }
0x105: {  	v5 =	vld.idx.msk [tilespmem:v42+s25+$0x0], $0xffff  }
0x106: {  	v2 =	vadd.f32 v3, v2  }
0x107: {  	v3 =	vld.idx.msk [tilespmem:v43+s25+$0x0], $0xffff  }
0x108: {  	v2 =	vadd.f32 v4, v2  }
0x109: {  	v4 =	vld.idx.msk [tilespmem:v44+s25+$0x0], $0xffff  }
0x10a: {  	v2 =	vadd.f32 v5, v2  }
0x10b: {  	v5 =	vld.idx.msk [tilespmem:v45+s25+$0x0], $0xffff  }
0x10c: {  	v2 =	vadd.f32 v3, v2  }
0x10d: {  	v3 =	vld.idx.msk [tilespmem:v46+s25+$0x0], $0xffff  }
0x10e: {  	v2 =	vadd.f32 v4, v2  }
0x10f: {  	v4 =	vld.idx.msk [tilespmem:v47+s25+$0x0], $0xffff  }
0x110: {  	v2 =	vadd.f32 v5, v2  }
0x111: {  	v5 =	vld.idx.msk [tilespmem:v48+s25+$0x0], $0xffff  }
0x112: {  	v2 =	vadd.f32 v3, v2;
	_ =	sdelay $0x1  }
0x113: {  	v2 =	vadd.f32 v4, v2;
	_ =	sdelay $0x1  }
0x114: {  	v2 =	vadd.f32 v5, v2;
	_ =	sdelay $0x1  }
0x115: {  	v2 =	vmin.f32 v2, $7.000000000e+01  }
0x116: {  	v2 =	vmul.f32 $1.442695020e+00, v2;
	_ =	sdelay $0x1  }
0x117: {  	(erf) = vpow2.f32 v2;
	_ =	sdelay $0x8  }
0x118: {  	v2 =	vpop (erf)  }
0x119: {  	[tilespmem:$0x82C0] =	vst v2  }
0x11a: {  	v2 =	vld.idx.msk [tilespmem:v49+s25+$0x0], $0xffff  }
0x11b: {  	v3 =	vld.idx.msk [tilespmem:v50+s25+$0x0], $0xffff;
	_ =	sdelay $0x1  }
0x11c: {  	v4 =	vld.idx.msk [tilespmem:v51+s25+$0x0], $0xffff;
	_ =	sdelay $0x1  }
0x11d: {  	v5 =	vld.idx.msk [tilespmem:v52+s25+$0x0], $0xffff  }
0x11e: {  	v2 =	vadd.f32 v3, v2  }
0x11f: {  	v3 =	vld.idx.msk [tilespmem:v53+s25+$0x0], $0xffff  }
0x120: {  	v2 =	vadd.f32 v4, v2  }
0x121: {  	v4 =	vld.idx.msk [tilespmem:v54+s25+$0x0], $0xffff  }
0x122: {  	v2 =	vadd.f32 v5, v2  }
0x123: {  	v5 =	vld.idx.msk [tilespmem:v55+s25+$0x0], $0xffff  }
0x124: {  	v2 =	vadd.f32 v3, v2  }
0x125: {  	v3 =	vld.idx.msk [tilespmem:v56+s25+$0x0], $0xffff  }
0x126: {  	v2 =	vadd.f32 v4, v2  }
0x127: {  	v4 =	vld.idx.msk [tilespmem:v57+s25+$0x0], $0xffff  }
0x128: {  	v2 =	vadd.f32 v5, v2  }
0x129: {  	v5 =	vld.idx.msk [tilespmem:v58+s25+$0x0], $0xffff  }
0x12a: {  	v2 =	vadd.f32 v3, v2  }
0x12b: {  	v3 =	vld.idx.msk [tilespmem:v59+s25+$0x0], $0xffff  }
0x12c: {  	v2 =	vadd.f32 v4, v2  }
0x12d: {  	v4 =	vld.idx.msk [tilespmem:v60+s25+$0x0], $0xffff  }
0x12e: {  	v2 =	vadd.f32 v5, v2  }
0x12f: {  	v5 =	vld.idx.msk [tilespmem:v61+s25+$0x0], $0xffff  }
0x130: {  	v2 =	vadd.f32 v3, v2;
	v3 =	vor.u32 $0x30F, v0  }
0x131: {  	v6 =	vld.idx.msk [tilespmem:v62+s25+$0x0], $0xffff  }
0x132: {  	v2 =	vadd.f32 v4, v2  }
0x133: {  	v4 =	vld.idx.msk [tilespmem:v63+s25+$0x0], $0xffff  }
0x134: {  	v2 =	vadd.f32 v5, v2  }
0x135: {  	v3 =	vld.idx.msk [tilespmem:v3+s25+$0x0], $0xffff  }
0x136: {  	v2 =	vadd.f32 v6, v2;
	_ =	sdelay $0x1  }
0x137: {  	v2 =	vadd.f32 v4, v2;
	_ =	sdelay $0x1  }
0x138: {  	v2 =	vadd.f32 v3, v2;
	_ =	sdelay $0x1  }
0x139: {  	v2 =	vmin.f32 v2, $7.000000000e+01  }
0x13a: {  	v2 =	vmul.f32 $1.442695020e+00, v2;
	_ =	sdelay $0x1  }
0x13b: {  	(erf) = vpow2.f32 v2;
	_ =	sdelay $0x5  }
0x13c: {  	v2 =	vor.u32 $0x400, v0  }
0x13d: {  	v3 =	vor.u32 $0x401, v0;
	_ =	sdelay $0x1  }
0x13e: {  	v5 =	vor.u32 $0x402, v0;
	v4 =	vpop (erf)  }
0x13f: {  	[tilespmem:$0x82D0] =	vst v4  }
0x140: {  	v4 =	vor.u32 $0x403, v0;
	v2 =	vld.idx.msk [tilespmem:v2+s25+$0x0], $0xffff  }
0x141: {  	v3 =	vld.idx.msk [tilespmem:v3+s25+$0x0], $0xffff  }
0x142: {  	v6 =	vor.u32 $0x404, v0  }
0x143: {  	v5 =	vld.idx.msk [tilespmem:v5+s25+$0x0], $0xffff  }
0x144: {  	v7 =	vor.u32 $0x405, v0  }
0x145: {  	v4 =	vld.idx.msk [tilespmem:v4+s25+$0x0], $0xffff  }
0x146: {  	v2 =	vadd.f32 v3, v2;
	v3 =	vor.u32 $0x406, v0  }
0x147: {  	v6 =	vld.idx.msk [tilespmem:v6+s25+$0x0], $0xffff  }
0x148: {  	v2 =	vadd.f32 v5, v2;
	v5 =	vor.u32 $0x407, v0  }
0x149: {  	v7 =	vld.idx.msk [tilespmem:v7+s25+$0x0], $0xffff  }
0x14a: {  	v2 =	vadd.f32 v4, v2;
	v4 =	vor.u32 $0x408, v0  }
0x14b: {  	v3 =	vld.idx.msk [tilespmem:v3+s25+$0x0], $0xffff  }
0x14c: {  	v2 =	vadd.f32 v6, v2;
	v6 =	vor.u32 $0x409, v0  }
0x14d: {  	v5 =	vld.idx.msk [tilespmem:v5+s25+$0x0], $0xffff  }
0x14e: {  	v2 =	vadd.f32 v7, v2;
	v7 =	vor.u32 $0x40A, v0  }
0x14f: {  	v4 =	vld.idx.msk [tilespmem:v4+s25+$0x0], $0xffff  }
0x150: {  	v2 =	vadd.f32 v3, v2;
	v3 =	vor.u32 $0x40B, v0  }
0x151: {  	v6 =	vld.idx.msk [tilespmem:v6+s25+$0x0], $0xffff  }
0x152: {  	v2 =	vadd.f32 v5, v2;
	v5 =	vor.u32 $0x40C, v0  }
0x153: {  	v7 =	vld.idx.msk [tilespmem:v7+s25+$0x0], $0xffff  }
0x154: {  	v2 =	vadd.f32 v4, v2;
	v4 =	vor.u32 $0x40D, v0  }
0x155: {  	v3 =	vld.idx.msk [tilespmem:v3+s25+$0x0], $0xffff  }
0x156: {  	v2 =	vadd.f32 v6, v2;
	v6 =	vor.u32 $0x40E, v0  }
0x157: {  	v5 =	vld.idx.msk [tilespmem:v5+s25+$0x0], $0xffff  }
0x158: {  	v2 =	vadd.f32 v7, v2;
	v7 =	vor.u32 $0x40F, v0  }
0x159: {  	v4 =	vld.idx.msk [tilespmem:v4+s25+$0x0], $0xffff  }
0x15a: {  	v2 =	vadd.f32 v3, v2  }
0x15b: {  	v3 =	vld.idx.msk [tilespmem:v6+s25+$0x0], $0xffff  }
0x15c: {  	v2 =	vadd.f32 v5, v2  }
0x15d: {  	v5 =	vld.idx.msk [tilespmem:v7+s25+$0x0], $0xffff  }
0x15e: {  	v2 =	vadd.f32 v4, v2;
	_ =	sdelay $0x1  }
0x15f: {  	v2 =	vadd.f32 v3, v2;
	_ =	sdelay $0x1  }
0x160: {  	v2 =	vadd.f32 v5, v2;
	_ =	sdelay $0x1  }
0x161: {  	v2 =	vmin.f32 v2, $7.000000000e+01  }
0x162: {  	v2 =	vmul.f32 $1.442695020e+00, v2;
	_ =	sdelay $0x1  }
0x163: {  	(erf) = vpow2.f32 v2;
	_ =	sdelay $0x7  }
0x164: {  	s1 =	simm.s32 $0x0  }
0x165: {  	v3 =	vmov s1;
	v2 =	vpop (erf)  }
0x166: {  	[tilespmem:$0x82E0] =	vst v2  }
0x167: {  	_ =	swait.ge [sflag:s24], $0x2800  }
0x168: {  	[sflag:s24] =	ssyncset.done $0x0  }
0x169: {  	[sflag:s24] =	ssyncadd.s32 $0xFFFFD800  }
0x16a: {  	s1 =	simm.s32 $0x28E0;
	v2 =	vld.idx.msk [tilespmem:v3+s26+$0x0], $0xffff  }
0x16b: {  	v3 =	vld [tilespmem:s1+$0xFFFFFFC0];
	_ =	sdelay $0x4  }
0x16c: {  	v3 =	vmul.f32 v3, v2  }
0x16d: {  	s3 =	simm.s32 $0x50E0  }
0x16e: {  	[tilespmem:s3+$0xFFFFFFC0] =	vst v3  }
0x16f: {  	v3 =	vld [tilespmem:s1+$0xFFFFFFD0];
	_ =	sdelay $0x4  }
0x170: {  	v3 =	vmul.f32 v3, v2;
	_ =	sdelay $0x1  }
0x171: {  	[tilespmem:s3+$0xFFFFFFD0] =	vst v3  }
0x172: {  	v3 =	vld [tilespmem:s1+$0xFFFFFFE0];
	_ =	sdelay $0x4  }
0x173: {  	v3 =	vmul.f32 v3, v2;
	_ =	sdelay $0x1  }
0x174: {  	[tilespmem:s3+$0xFFFFFFE0] =	vst v3  }
0x175: {  	v3 =	vld [tilespmem:s1+$0xFFFFFFF0];
	_ =	sdelay $0x4  }
0x176: {  	v3 =	vmul.f32 v3, v2;
	_ =	sdelay $0x1  }
0x177: {  	[tilespmem:s3+$0xFFFFFFF0] =	vst v3  }
0x178: {  	v3 =	vld [tilespmem:s1+$0x0];
	_ =	sdelay $0x4  }
0x179: {  	v3 =	vmul.f32 v3, v2;
	_ =	sdelay $0x1  }
0x17a: {  	[tilespmem:s3+$0x0] =	vst v3  }
0x17b: {  	v3 =	vld [tilespmem:s1+$0x10];
	_ =	sdelay $0x4  }
0x17c: {  	v3 =	vmul.f32 v3, v2;
	_ =	sdelay $0x1  }
0x17d: {  	[tilespmem:s3+$0x10] =	vst v3  }
0x17e: {  	v3 =	vld [tilespmem:s1+$0x20];
	_ =	sdelay $0x4  }
0x17f: {  	v3 =	vmul.f32 v3, v2;
	_ =	sdelay $0x1  }
0x180: {  	[tilespmem:s3+$0x20] =	vst v3  }
0x181: {  	v3 =	vld [tilespmem:s1+$0x30];
	_ =	sdelay $0x1  }
0x182: {  	s9 =	simm.s32 $0x1;
	v4 =	vnsel vm0, $0x0, v2  }
0x183: {  	[tilespmem:s3+$0x40] =	vst v4;
	v4 =	vmov s9;
	s9 =	simm.s32 $0x2  }
.LBB2_9:
0x184: {  	p0 =	sne.s32 s9, $0x4F  }
0x185: {  	v2 =	vmul.f32 v3, v2;
	_ =	sdelay $0x1  }
0x186: {  	[tilespmem:s3+$0x30] =	vst v2  }
0x187: {  	s1 =	sadd.s32 $0x80, s1;
	v2 =	vld.idx.msk [tilespmem:v4+s26+$0x0], $0xffff  }
0x188: {  	v3 =	vld [tilespmem:s1+$0xFFFFFFC0];
	_ =	sdelay $0x4  }
0x189: {  	v4 =	vnsel vm0, $0x0, v2;
	v3 =	vmul.f32 v3, v2  }
0x18a: {  	s3 =	sadd.s32 $0x90, s3  }
0x18b: {  	[tilespmem:s3+$0xFFFFFFC0] =	vst v3  }
0x18c: {  	v3 =	vld [tilespmem:s1+$0xFFFFFFD0];
	_ =	sdelay $0x4  }
0x18d: {  	v3 =	vmul.f32 v3, v2;
	_ =	sdelay $0x1  }
0x18e: {  	[tilespmem:s3+$0xFFFFFFD0] =	vst v3  }
0x18f: {  	v3 =	vld [tilespmem:s1+$0xFFFFFFE0];
	_ =	sdelay $0x4  }
0x190: {  	v3 =	vmul.f32 v3, v2;
	_ =	sdelay $0x1  }
0x191: {  	[tilespmem:s3+$0xFFFFFFE0] =	vst v3  }
0x192: {  	v3 =	vld [tilespmem:s1+$0xFFFFFFF0];
	_ =	sdelay $0x4  }
0x193: {  	v3 =	vmul.f32 v3, v2;
	_ =	sdelay $0x1  }
0x194: {  	[tilespmem:s3+$0xFFFFFFF0] =	vst v3  }
0x195: {  	v3 =	vld [tilespmem:s1+$0x0];
	_ =	sdelay $0x4  }
0x196: {  	v3 =	vmul.f32 v3, v2;
	_ =	sdelay $0x1  }
0x197: {  	[tilespmem:s3+$0x0] =	vst v3  }
0x198: {  	v3 =	vld [tilespmem:s1+$0x10];
	_ =	sdelay $0x4  }
0x199: {  	v3 =	vmul.f32 v3, v2;
	_ =	sdelay $0x1  }
0x19a: {  	[tilespmem:s3+$0x10] =	vst v3  }
0x19b: {  	v3 =	vld [tilespmem:s1+$0x20];
	_ =	sdelay $0x4  }
0x19c: {  	v3 =	vmul.f32 v3, v2;
	_ =	sdelay $0x1  }
.Ltmp3:
0x19d: {  	[tilespmem:s3+$0x20] =	vst v3;
	(pc) =	sbr.rel @p0 .LBB2_9-.Ltmp3, $2  }
0x19e: {  	v3 =	vld [tilespmem:s1+$0x30];
	[tilespmem:s3+$0x40] =	vst v4;
	_ =	sdelay $0x2  }
0x19f: {  	v4 =	vmov s9;
	s9 =	sadd.s32 $0x1, s9  }
0x1a0: {  	_ = 	snop  }
0x1a1: {  	v2 =	vmul.f32 v3, v2;
	_ =	sdelay $0x1  }
0x1a2: {  	[tilespmem:s3+$0x30] =	vst v2  }
0x1a3: {  	s1 =	sadd.s32 $0x80, s1;
	v2 =	vld.idx.msk [tilespmem:v4+s26+$0x0], $0xffff  }
0x1a4: {  	v3 =	vld [tilespmem:s1+$0xFFFFFFC0];
	_ =	sdelay $0x4  }
0x1a5: {  	v3 =	vmul.f32 v3, v2  }
0x1a6: {  	s31 =	sadd.s32 $0x90, s3  }
0x1a7: {  	[tilespmem:s31+$0xFFFFFFC0] =	vst v3  }
0x1a8: {  	v3 =	vld [tilespmem:s1+$0xFFFFFFD0];
	_ =	sdelay $0x4  }
0x1a9: {  	v3 =	vmul.f32 v3, v2;
	_ =	sdelay $0x1  }
0x1aa: {  	[tilespmem:s31+$0xFFFFFFD0] =	vst v3  }
0x1ab: {  	v3 =	vld [tilespmem:s1+$0xFFFFFFE0];
	_ =	sdelay $0x4  }
0x1ac: {  	v3 =	vmul.f32 v3, v2;
	_ =	sdelay $0x1  }
0x1ad: {  	[tilespmem:s31+$0xFFFFFFE0] =	vst v3  }
0x1ae: {  	v3 =	vld [tilespmem:s1+$0xFFFFFFF0];
	_ =	sdelay $0x4  }
0x1af: {  	v3 =	vmul.f32 v3, v2;
	_ =	sdelay $0x1  }
0x1b0: {  	[tilespmem:s31+$0xFFFFFFF0] =	vst v3  }
0x1b1: {  	v3 =	vld [tilespmem:s1+$0x0];
	_ =	sdelay $0x4  }
0x1b2: {  	v3 =	vmul.f32 v3, v2;
	_ =	sdelay $0x1  }
0x1b3: {  	[tilespmem:s31+$0x0] =	vst v3  }
0x1b4: {  	v3 =	vld [tilespmem:s1+$0x10];
	_ =	sdelay $0x4  }
0x1b5: {  	v3 =	vmul.f32 v3, v2;
	_ =	sdelay $0x1  }
0x1b6: {  	[tilespmem:s31+$0x10] =	vst v3  }
0x1b7: {  	v3 =	vld [tilespmem:s1+$0x20];
	_ =	sdelay $0x4  }
0x1b8: {  	v3 =	vmul.f32 v3, v2;
	_ =	sdelay $0x1  }
0x1b9: {  	[tilespmem:s31+$0x20] =	vst v3  }
0x1ba: {  	v3 =	vld [tilespmem:s1+$0x30];
	_ =	sdelay $0x4  }
0x1bb: {  	s30 =	sadd.s32 $0x1, s30;
	v4 =	vnsel vm0, $0x0, v2;
	v2 =	vmul.f32 v3, v2  }
0x1bc: {  	p0 =	sne.s32 s30, $0x7D;
	[tilespmem:s31+$0x40] =	vst v4  }
.Ltmp4:
0x1bd: {  	[tilespmem:s31+$0x30] =	vst v2;
	(pc) =	sbr.rel @p0 .LBB2_4-.Ltmp4, $4  }
0x1be: {  	[spmem:s2] =	stream.indirect.scatter.add.f32 [tilespmem:s19], [sflag:$0x2], $0x90, s4, s21, $0xb8;
	[tilespmem:$0x1E280] =	vst v63  }
0x1bf: {  	_ =	swait.ge [sflag:s20], $0x2D00  }
0x1c0: {  	[sflag:s20] =	ssyncset.done $0x0  }
0x1c1: {  	[sflag:s20] =	ssyncadd.s32 $0xFFFFD300  }
0x1c2: {  	s1 =	stileid.u32;
	s28 =	sadd.s32 $0x1, s28  }
0x1c3: {  	[bflag:$0x0] =	sbarrier.arrive $0xFFFF;
	s1 =	sshll.u32 s1, $0x6;
	p0 =	sne.s32 s28, s18  }
.Ltmp5:
0x1c4: {  	s3 =	sshrl.u32 s8, $0x3;
	s1 =	sor.u32 $0x1C02, s1;
	(pc) =	sbr.rel @p0 .LBB2_1-.Ltmp5, $4  }
0x1c5: {  	[hbm:s17], [sflag:s1] =	dma.local [spmem:s3], $0x2BF2  }
0x1c6: {  	_ =	swait.ge [sflag:s20], $0x2BF2  }
0x1c7: {  	[sflag:s20] =	ssyncset.done $0x0  }
0x1c8: {  	[sflag:s20] =	ssyncadd.s32 $0xFFFFD40E  }
0x1c9: {  	_ =	sfence.sel $0x180000  }
0x1ca: {  	[bflag:$0x0] =	sbarrier.arrive $0xFFFF  }
0x1cb: {  	_ =	strace $0x90000047  }
0x1cc: {  	s0 =	stileid.u32;
	[bflag:$0x2] =	sbarrier.arrive $0xFFFF  }
0x1cd: {  	p0 =	sne.s32 s0, $0x0;
	s0 =	rddreg [dreg:$0x3]  }
0x1ce: {  	s0 =	sadd.s32 @!p0 $0x100000, s0  }
0x1cf: {  	[sflag:s0] =	ssyncadd.tile.s32 @!p0 $0x1;
	_ =	shalt  }
.Lfunc_end2:
_tile_overlayer_lowered:
.L_overlay_start_2:
0x1d0: {  	(tag) =	ssettag $0x2  }
0x1d1: {  	s0 =	rddreg [dreg:$0x0];
	s2 =	stileid.u32  }
0x1d2: {  	s1 =	rddreg [dreg:$0x1];
	p0 =	sne.s32 s2, $0x0  }
0x1d3: {  	s3 =	rddreg [dreg:$0x2];
	[bflag:$0x3] =	sbarrier.arrive $0xFFFF;
	s2 =	simm.s32 @!p0 $0x1C02  }
0x1d4: {  	[timem:s3], [sflag:s2] =	dma.local @!p0 [hbm:s0], s1  }
0x1d5: {  	s0 =	simm.s32 @!p0 $0x2  }
0x1d6: {  	_ =	swait.ge @!p0 [sflag:s0], s1  }
0x1d7: {  	s1 =	ssub.s32 @!p0 $0x0, s1;
	[sflag:s0] =	ssyncset.done @!p0 $0x0  }
0x1d8: {  	[sflag:s0] =	ssyncadd.s32 @!p0 s1  }
0x1d9: {  	[bflag:$0x3] =	sbarrier.arrive $0xFFFF  }
0x1da: {  	_ =	shalt  }

</sc_bundles>
